<compile_context>
chip_gen: v7x
topology: tpu7x:2x2x1
jax: 0.10.2.dev20260603
libtpu: 0.0.44.dev20260713+nightly
codegen_flags: <defaults>
</compile_context>

<pallas_src>
import functools

import jax
import jax.numpy as jnp
from jax import lax
from jax.experimental import pallas as pl
from jax.experimental.pallas import tpu as pltpu
from jax.experimental.pallas import tpu_sc as plsc

RATIO = 4
NUM_SC_CORES = 2
NUM_SUBCORES = 16
NUM_WORKERS = NUM_SC_CORES * NUM_SUBCORES


def _fps_body(xyzr_ref, idx_ref, sx_ref, sy_ref, sz_ref, dist_ref):
    G, _, R, L = xyzr_ref.shape
    N = 2 * L
    M = idx_ref.shape[1]
    CH = 128
    sub = lax.broadcasted_iota(jnp.int32, (R, L), 0)
    lane = lax.broadcasted_iota(jnp.int32, (R, L), 1)
    flatf = ((sub % 2) * L + lane).astype(jnp.float32)
    lane_ch = lax.broadcasted_iota(jnp.int32, (R, CH), 1)
    even_row = (lax.broadcasted_iota(jnp.int32, (R, 1), 0) % 2) == 0
    dist_ref[...] = jnp.full((G, R, L), 1e10, jnp.float32)

    def pair_combine(t, op):
        dn = jnp.roll(t, 1, axis=0)
        up = jnp.roll(t, -1, axis=0)
        return jnp.where(even_row, op(t, up), op(t, dn))

    def phase_b(g, mx):
        dist = dist_ref[g]
        cand = jnp.where(dist == mx, flatf, float(N))
        return pair_combine(jnp.min(cand, axis=1, keepdims=True), jnp.minimum)

    def phase_a(g, fg, j, acc1, acc2):
        Xg = xyzr_ref[g, 0]
        Yg = xyzr_ref[g, 1]
        Zg = xyzr_ref[g, 2]
        m = flatf == fg
        cx = pair_combine(
            jnp.sum(jnp.where(m, Xg, 0.0), axis=1, keepdims=True), jnp.add)
        cy = pair_combine(
            jnp.sum(jnp.where(m, Yg, 0.0), axis=1, keepdims=True), jnp.add)
        cz = pair_combine(
            jnp.sum(jnp.where(m, Zg, 0.0), axis=1, keepdims=True), jnp.add)
        d = (Xg - cx) ** 2 + (Yg - cy) ** 2 + (Zg - cz) ** 2
        dist = jnp.minimum(dist_ref[g], d)
        dist_ref[g] = dist
        mx = pair_combine(jnp.max(dist, axis=1, keepdims=True), jnp.maximum)
        sel = lane_ch == j
        acc1 = jnp.where(sel, jnp.where(even_row, fg, cx), acc1)
        acc2 = jnp.where(sel, jnp.where(even_row, cy, cz), acc2)
        return mx, acc1, acc2

    def chunk_body(c, carry):
        def step(j, st):
            (mx0, f1), (a10, a20, a11, a21) = st
            f0 = phase_b(0, mx0)
            mx1, a11, a21 = phase_a(1, f1, j, a11, a21)
            nmx0, a10, a20 = phase_a(0, f0, j, a10, a20)
            nf1 = phase_b(1, mx1)
            return ((nmx0, nf1), (a10, a20, a11, a21))

        zf = jnp.zeros((R, CH), jnp.float32)
        carry, accs = lax.fori_loop(0, CH, step,
                                    (carry, (zf, zf, zf, zf)))
        base = pl.multiple_of(c * CH, CH)
        for g in range(G):
            a1, a2 = accs[2 * g], accs[2 * g + 1]
            for b in range(R // 2):
                row = (R // 2) * g + b
                idx_ref[row, pl.ds(base, CH)] = a1[2 * b].astype(jnp.int32)
                sx_ref[row, pl.ds(base, CH)] = a1[2 * b + 1]
                sy_ref[row, pl.ds(base, CH)] = a2[2 * b]
                sz_ref[row, pl.ds(base, CH)] = a2[2 * b + 1]
        return carry

    carry0 = (jnp.full((R, 1), 1e10, jnp.float32),
              jnp.zeros((R, 1), jnp.float32))
    lax.fori_loop(0, M // CH, chunk_body, carry0)


def _fps(xyzr, M):
    G, _, R, L = xyzr.shape
    B = G * (R // 2)
    out_shape = [
        jax.ShapeDtypeStruct((B, M), jnp.int32),
        jax.ShapeDtypeStruct((B, M), jnp.float32),
        jax.ShapeDtypeStruct((B, M), jnp.float32),
        jax.ShapeDtypeStruct((B, M), jnp.float32),
    ]
    return pl.pallas_call(
        _fps_body,
        out_shape=out_shape,
        scratch_shapes=[pltpu.VMEM((G, R, L), jnp.float32)],
    )(xyzr)


def _sc_gather(feat2, idx, pairs, M, N):
    B = idx.shape[0]
    workers_per_batch = NUM_WORKERS // B
    ppw = pairs // NUM_WORKERS

    @functools.partial(
        pl.kernel,
        mesh=plsc.VectorSubcoreMesh(core_axis_name="c", subcore_axis_name="s"),
        out_type=jax.ShapeDtypeStruct((pairs, M), jnp.float32),
        scratch_types=[
            pltpu.VMEM((M,), jnp.int32),
            pltpu.VMEM((2, N), jnp.float32),
            pltpu.VMEM((2, M), jnp.float32),
            pltpu.SemaphoreType.DMA,
            pltpu.SemaphoreType.DMA,
            pltpu.SemaphoreType.DMA,
            pltpu.SemaphoreType.DMA,
        ],
        compiler_params=pltpu.CompilerParams(needs_layout_passes=False),
    )
    def k(feat_hbm, idx_hbm, out_hbm, idx_v, row_v, out_v,
          in_sem0, in_sem1, out_sem0, out_sem1):
        cid = lax.axis_index("c")
        sid = lax.axis_index("s")
        wid = sid * NUM_SC_CORES + cid
        base = wid * ppw
        b = wid // workers_per_batch
        pltpu.sync_copy(idx_hbm.at[b], idx_v)

        in_sems = (in_sem0, in_sem1)
        out_sems = (out_sem0, out_sem1)

        def in_cp(p, buf):
            return pltpu.make_async_copy(feat_hbm.at[base + p],
                                         row_v.at[buf], in_sems[buf])

        def out_cp(p, buf):
            return pltpu.make_async_copy(out_v.at[buf],
                                         out_hbm.at[base + p], out_sems[buf])

        def gather(buf):
            bufs = jnp.full((16,), buf, jnp.int32)

            def gather_grp(j, _):
                for kq in range(4):
                    sl = pl.ds(j * 64 + kq * 16, 16)
                    out_v[buf, sl] = plsc.load_gather(row_v,
                                                      [bufs, idx_v[sl]])
                return 0
            lax.fori_loop(0, M // 64, gather_grp, 0)

        in_cp(0, 0).start()
        in_cp(1, 1).start()
        nt = ppw // 2

        def pair_body(t, _):
            for buf in range(2):
                p = 2 * t + buf

                @pl.when(t > 0)
                def _():
                    out_cp(2 * (t - 1) + buf, buf).wait()

                in_cp(p, buf).wait()
                gather(buf)
                out_cp(p, buf).start()

                @pl.when(t + 1 < nt)
                def _():
                    in_cp(p + 2, buf).start()
            return 0

        lax.fori_loop(0, nt, pair_body, 0)
        out_cp(ppw - 2, 0).wait()
        out_cp(ppw - 1, 1).wait()

    return k(feat2, idx)


def kernel(xyz, feature):
    B, _, N = xyz.shape
    _, C, _ = feature.shape
    M = N // RATIO

    xyzr = (xyz.reshape(2, B // 2, 3, 2, N // 2)
            .transpose(0, 2, 1, 3, 4)
            .reshape(2, 3, B, N // 2))
    idx, sx, sy, sz = _fps(xyzr, M)
    sampled = jnp.stack([sx, sy, sz], axis=1)

    feat2 = feature.reshape(B * C, N)
    gathered = _sc_gather(feat2, idx, B * C, M, N)
    sampled_feature = gathered.reshape(B, C, M)
    return sampled, sampled_feature

# --- scband reference (transcript-rebuilt; emitter-appended) ---
"""Pipeline reference for scband-down-sampling-7559142441750 (READ-ONLY COPY).

The authoritative reference and input builder live on the scoring server;
editing this copy changes nothing except your own understanding.
"""

import jax, jax.numpy as jnp
import numpy as np

RATIO = 4


def farthest_point_sample(xyz, M):
    # xyz: [B, N, 3] -> idx: [B, M] int32
    B, N, _ = xyz.shape

    def body(i, state):
        idx, dist, farthest = state
        idx = idx.at[:, i].set(farthest)
        centroid = jnp.take_along_axis(xyz, farthest[:, None, None], axis=1)  # [B,1,3]
        d = jnp.sum((xyz - centroid) ** 2, axis=-1)  # [B,N]
        dist = jnp.minimum(dist, d)
        farthest = jnp.argmax(dist, axis=-1).astype(jnp.int32)
        return (idx, dist, farthest)

    idx0 = jnp.zeros((B, M), dtype=jnp.int32)
    dist0 = jnp.full((B, N), 1e10, dtype=xyz.dtype)
    farthest0 = jnp.zeros((B,), dtype=jnp.int32)
    idx, _, _ = jax.lax.fori_loop(0, M, body, (idx0, dist0, farthest0))
    return idx


def index_points(points, idx):
    # points: [B, N, C], idx: [B, M] -> [B, M, C]
    return jnp.take_along_axis(points, idx[..., None], axis=1)


def setup_inputs(seed: int = 0) -> dict:
    key = jax.random.key(seed)
    k1, k2 = jax.random.split(key)
    xyz = jax.random.normal(k1, (8, 3, 8192), dtype=jnp.float32)
    feature = jax.random.normal(k2, (8, 128, 8192), dtype=jnp.float32)
    return {"xyz": xyz, "feature": feature}


def reference(xyz, feature):
    B, _, N = xyz.shape
    xyz_t = jnp.transpose(xyz, (0, 2, 1))       # [B, N, 3]
    feat_t = jnp.transpose(feature, (0, 2, 1))  # [B, N, C]
    M = N // RATIO
    sampled_idx = farthest_point_sample(xyz_t, M)  # [B, M]
    sampled = index_points(xyz_t, sampled_idx)          # [B, M, 3]
    sampled_feature = index_points(feat_t, sampled_idx)  # [B, M, C]
    sampled = jnp.transpose(sampled, (0, 2, 1))              # [B, 3, M]
    sampled_feature = jnp.transpose(sampled_feature, (0, 2, 1))  # [B, C, M]
    return (sampled, sampled_feature)

if __name__ == "__main__":
    import jax
    _d = setup_inputs()
    print(jax.jit(kernel)(*tuple(_d.values())))

</pallas_src>

<mosaic_0001>
#map = affine_map<(d0, d1) -> (0, 0)>
module attributes {stable_mosaic.version = 14 : i64} {
  func.func @k(%arg0: i32, %arg1: i32, %arg2: memref<1024x8192xf32, #tpu.memory_space<hbm>>, %arg3: memref<8x2048xi32, #tpu.memory_space<hbm>>, %arg4: memref<1024x2048xf32, #tpu.memory_space<hbm>>, %arg5: memref<2048xi32, #tpu.memory_space<vmem>>, %arg6: memref<2x8192xf32, #tpu.memory_space<vmem>>, %arg7: memref<2x2048xf32, #tpu.memory_space<vmem>>, %arg8: memref<!tpu.dma_semaphore, #tpu.memory_space<semaphore_mem>>, %arg9: memref<!tpu.dma_semaphore, #tpu.memory_space<semaphore_mem>>, %arg10: memref<!tpu.dma_semaphore, #tpu.memory_space<semaphore_mem>>, %arg11: memref<!tpu.dma_semaphore, #tpu.memory_space<semaphore_mem>>) attributes {dimension_semantics = [#tpu.dimension_semantics<core_parallel>, #tpu.dimension_semantics<subcore_parallel>], iteration_bounds = array<i64: 2, 16>, scalar_prefetch = 0 : i64, scratch_operands = 7 : i64, tpu.core_type = #tpu.core_type<sc_vector_subcore>, window_params = [{transform_indices = #map}, {transform_indices = #map}, {transform_indices = #map}]} {
    %mul3A = arith.constant 2 : i32
    %mul3A_0 = arith.muli %arg1, %mul3A : i32
    %add3A = arith.addi %mul3A_0, %arg0 : i32
    %mul3A_1 = arith.constant 32 : i32
    %mul3A_2 = arith.muli %add3A, %mul3A_1 : i32
    %jit3A = arith.constant 4 : i32
    %div3A = arith.divsi %add3A, %jit3A : i32
    %sign3A = arith.constant 0 : i32
    %sign3A_3 = arith.cmpi sgt, %add3A, %sign3A : i32
    %sign3A_4 = arith.extui %sign3A_3 : i1 to i32
    %sign3A_5 = arith.constant 0 : i32
    %sign3A_6 = arith.cmpi slt, %add3A, %sign3A_5 : i32
    %sign3A_7 = arith.extui %sign3A_6 : i1 to i32
    %sign3A_8 = arith.subi %sign3A_4, %sign3A_7 : i32
    %sign3A_9 = arith.constant 0 : i32
    %sign3A_10 = arith.cmpi sgt, %jit3A, %sign3A_9 : i32
    %sign3A_11 = arith.extui %sign3A_10 : i1 to i32
    %sign3A_12 = arith.constant 0 : i32
    %sign3A_13 = arith.cmpi slt, %jit3A, %sign3A_12 : i32
    %sign3A_14 = arith.extui %sign3A_13 : i1 to i32
    %sign3A_15 = arith.subi %sign3A_11, %sign3A_14 : i32
    %ne3A = arith.cmpi ne, %sign3A_8, %sign3A_15 : i32
    %rem3A = arith.remsi %add3A, %jit3A : i32
    %ne3A_16 = arith.constant 0 : i32
    %ne3A_17 = arith.cmpi ne, %rem3A, %ne3A_16 : i32
    %and3A = arith.andi %ne3A, %ne3A_17 : i1
    %sub3A = arith.constant 1 : i32
    %sub3A_18 = arith.subi %div3A, %sub3A : i32
    %select_n3A = arith.select %and3A, %sub3A_18, %div3A : i32
    "tpu.region"() ({
      %run_scoped3A = tpu.sem_alloc : memref<!tpu.dma_semaphore, #tpu.memory_space<semaphore_mem>>
      %dma_start3A_83 = arith.constant 0 : i32
      %dma_start3A_84 = tpu.memref_slice %arg3[%select_n3A, %dma_start3A_83] : memref<8x2048xi32, #tpu.memory_space<hbm>> -> memref<1x2048xi32, #tpu.memory_space<hbm>>
      %dma_start3A_85 = tpu.memref_squeeze %dma_start3A_84 : memref<1x2048xi32, #tpu.memory_space<hbm>> -> memref<2048xi32, #tpu.memory_space<hbm>>
      %dma_start3A_86 = arith.constant 0 : i32
      %dma_start3A_87 = tpu.memref_slice %arg3[%select_n3A, %dma_start3A_86] : memref<8x2048xi32, #tpu.memory_space<hbm>> -> memref<1x2048xi32, #tpu.memory_space<hbm>>
      %dma_start3A_88 = tpu.memref_squeeze %dma_start3A_87 : memref<1x2048xi32, #tpu.memory_space<hbm>> -> memref<2048xi32, #tpu.memory_space<hbm>>
      tpu.enqueue_dma source(%dma_start3A_88 : memref<2048xi32, #tpu.memory_space<hbm>>) target(%arg5 : memref<2048xi32, #tpu.memory_space<vmem>>) target_semaphore(%run_scoped3A : memref<!tpu.dma_semaphore, #tpu.memory_space<semaphore_mem>>)
      %dma_wait3A_89 = arith.constant 0 : i32
      %dma_wait3A_90 = tpu.memref_slice %arg3[%select_n3A, %dma_wait3A_89] : memref<8x2048xi32, #tpu.memory_space<hbm>> -> memref<1x2048xi32, #tpu.memory_space<hbm>>
      %dma_wait3A_91 = tpu.memref_squeeze %dma_wait3A_90 : memref<1x2048xi32, #tpu.memory_space<hbm>> -> memref<2048xi32, #tpu.memory_space<hbm>>
      %dma_wait3A_92 = arith.constant 0 : i32
      %dma_wait3A_93 = tpu.memref_slice %arg3[%select_n3A, %dma_wait3A_92] : memref<8x2048xi32, #tpu.memory_space<hbm>> -> memref<1x2048xi32, #tpu.memory_space<hbm>>
      %dma_wait3A_94 = tpu.memref_squeeze %dma_wait3A_93 : memref<1x2048xi32, #tpu.memory_space<hbm>> -> memref<2048xi32, #tpu.memory_space<hbm>>
      tpu.wait_dma2 semaphore(%run_scoped3A : memref<!tpu.dma_semaphore, #tpu.memory_space<semaphore_mem>>) src(%dma_wait3A_94 : memref<2048xi32, #tpu.memory_space<hbm>>) dst(%arg5 : memref<2048xi32, #tpu.memory_space<vmem>>)
      tpu.yield
    }) : () -> ()
    %add3A_19 = arith.constant 0 : i32
    %add3A_20 = arith.addi %mul3A_2, %add3A_19 : i32
    %dma_start3A = arith.constant 0 : i32
    %dma_start3A_21 = arith.constant 0 : i32
    %dma_start3A_22 = tpu.memref_slice %arg6[%dma_start3A, %dma_start3A_21] : memref<2x8192xf32, #tpu.memory_space<vmem>> -> memref<1x8192xf32, #tpu.memory_space<vmem>>
    %dma_start3A_23 = tpu.memref_squeeze %dma_start3A_22 : memref<1x8192xf32, #tpu.memory_space<vmem>> -> memref<8192xf32, #tpu.memory_space<vmem>>
    %dma_start3A_24 = arith.constant 0 : i32
    %dma_start3A_25 = tpu.memref_slice %arg2[%add3A_20, %dma_start3A_24] : memref<1024x8192xf32, #tpu.memory_space<hbm>> -> memref<1x8192xf32, #tpu.memory_space<hbm>>
    %dma_start3A_26 = tpu.memref_squeeze %dma_start3A_25 : memref<1x8192xf32, #tpu.memory_space<hbm>> -> memref<8192xf32, #tpu.memory_space<hbm>>
    %dma_start3A_27 = arith.constant 0 : i32
    %dma_start3A_28 = tpu.memref_slice %arg6[%dma_start3A, %dma_start3A_27] : memref<2x8192xf32, #tpu.memory_space<vmem>> -> memref<1x8192xf32, #tpu.memory_space<vmem>>
    %dma_start3A_29 = tpu.memref_squeeze %dma_start3A_28 : memref<1x8192xf32, #tpu.memory_space<vmem>> -> memref<8192xf32, #tpu.memory_space<vmem>>
    %dma_start3A_30 = arith.constant 0 : i32
    %dma_start3A_31 = tpu.memref_slice %arg2[%add3A_20, %dma_start3A_30] : memref<1024x8192xf32, #tpu.memory_space<hbm>> -> memref<1x8192xf32, #tpu.memory_space<hbm>>
    %dma_start3A_32 = tpu.memref_squeeze %dma_start3A_31 : memref<1x8192xf32, #tpu.memory_space<hbm>> -> memref<8192xf32, #tpu.memory_space<hbm>>
    tpu.enqueue_dma source(%dma_start3A_32 : memref<8192xf32, #tpu.memory_space<hbm>>) target(%dma_start3A_29 : memref<8192xf32, #tpu.memory_space<vmem>>) target_semaphore(%arg8 : memref<!tpu.dma_semaphore, #tpu.memory_space<semaphore_mem>>)
    %add3A_33 = arith.constant 1 : i32
    %add3A_34 = arith.addi %mul3A_2, %add3A_33 : i32
    %dma_start3A_35 = arith.constant 1 : i32
    %dma_start3A_36 = arith.constant 0 : i32
    %dma_start3A_37 = tpu.memref_slice %arg6[%dma_start3A_35, %dma_start3A_36] : memref<2x8192xf32, #tpu.memory_space<vmem>> -> memref<1x8192xf32, #tpu.memory_space<vmem>>
    %dma_start3A_38 = tpu.memref_squeeze %dma_start3A_37 : memref<1x8192xf32, #tpu.memory_space<vmem>> -> memref<8192xf32, #tpu.memory_space<vmem>>
    %dma_start3A_39 = arith.constant 0 : i32
    %dma_start3A_40 = tpu.memref_slice %arg2[%add3A_34, %dma_start3A_39] : memref<1024x8192xf32, #tpu.memory_space<hbm>> -> memref<1x8192xf32, #tpu.memory_space<hbm>>
    %dma_start3A_41 = tpu.memref_squeeze %dma_start3A_40 : memref<1x8192xf32, #tpu.memory_space<hbm>> -> memref<8192xf32, #tpu.memory_space<hbm>>
    %dma_start3A_42 = arith.constant 0 : i32
    %dma_start3A_43 = tpu.memref_slice %arg6[%dma_start3A_35, %dma_start3A_42] : memref<2x8192xf32, #tpu.memory_space<vmem>> -> memref<1x8192xf32, #tpu.memory_space<vmem>>
    %dma_start3A_44 = tpu.memref_squeeze %dma_start3A_43 : memref<1x8192xf32, #tpu.memory_space<vmem>> -> memref<8192xf32, #tpu.memory_space<vmem>>
    %dma_start3A_45 = arith.constant 0 : i32
    %dma_start3A_46 = tpu.memref_slice %arg2[%add3A_34, %dma_start3A_45] : memref<1024x8192xf32, #tpu.memory_space<hbm>> -> memref<1x8192xf32, #tpu.memory_space<hbm>>
    %dma_start3A_47 = tpu.memref_squeeze %dma_start3A_46 : memref<1x8192xf32, #tpu.memory_space<hbm>> -> memref<8192xf32, #tpu.memory_space<hbm>>
    tpu.enqueue_dma source(%dma_start3A_47 : memref<8192xf32, #tpu.memory_space<hbm>>) target(%dma_start3A_44 : memref<8192xf32, #tpu.memory_space<vmem>>) target_semaphore(%arg9 : memref<!tpu.dma_semaphore, #tpu.memory_space<semaphore_mem>>)
    %scan3A = arith.constant 0 : i32
    %scan3A_48 = arith.constant 0 : i32
    %scan3A_49 = arith.constant 16 : i32
    %scan3A_50 = arith.addi %scan3A_48, %scan3A_49 : i32
    %scan3A_51 = arith.constant 1 : i32
    %scan3A_52 = scf.for %scan3A_83 = %scan3A_48 to %scan3A_50 step %scan3A_51 iter_args(%scan3A_84 = %scan3A) -> (i32)  : i32 {
      %mul3A_85 = arith.constant 2 : i32
      %mul3A_86 = arith.muli %mul3A_85, %scan3A_83 : i32
      %add3A_87 = arith.constant 0 : i32
      %add3A_88 = arith.addi %mul3A_86, %add3A_87 : i32
      %gt3A = arith.constant 0 : i32
      %gt3A_89 = arith.cmpi sgt, %scan3A_83, %gt3A : i32
      %convert_element_type3A = arith.extui %gt3A_89 : i1 to i32
      %cond3A = arith.constant 0 : i32
      %cond3A_90 = arith.cmpi ne, %convert_element_type3A, %cond3A : i32
      scf.if %cond3A_90 {
        %sub3A_187 = arith.constant 1 : i32
        %sub3A_188 = arith.subi %scan3A_83, %sub3A_187 : i32
        %mul3A_189 = arith.constant 2 : i32
        %mul3A_190 = arith.muli %mul3A_189, %sub3A_188 : i32
        %add3A_191 = arith.constant 0 : i32
        %add3A_192 = arith.addi %mul3A_190, %add3A_191 : i32
        %add3A_193 = arith.addi %mul3A_2, %add3A_192 : i32
        %dma_wait3A_194 = arith.constant 0 : i32
        %dma_wait3A_195 = arith.constant 0 : i32
        %dma_wait3A_196 = tpu.memref_slice %arg7[%dma_wait3A_194, %dma_wait3A_195] : memref<2x2048xf32, #tpu.memory_space<vmem>> -> memref<1x2048xf32, #tpu.memory_space<vmem>>
        %dma_wait3A_197 = tpu.memref_squeeze %dma_wait3A_196 : memref<1x2048xf32, #tpu.memory_space<vmem>> -> memref<2048xf32, #tpu.memory_space<vmem>>
        %dma_wait3A_198 = arith.constant 0 : i32
        %dma_wait3A_199 = tpu.memref_slice %arg4[%add3A_193, %dma_wait3A_198] : memref<1024x2048xf32, #tpu.memory_space<hbm>> -> memref<1x2048xf32, #tpu.memory_space<hbm>>
        %dma_wait3A_200 = tpu.memref_squeeze %dma_wait3A_199 : memref<1x2048xf32, #tpu.memory_space<hbm>> -> memref<2048xf32, #tpu.memory_space<hbm>>
        %dma_wait3A_201 = arith.constant 0 : i32
        %dma_wait3A_202 = tpu.memref_slice %arg4[%add3A_193, %dma_wait3A_201] : memref<1024x2048xf32, #tpu.memory_space<hbm>> -> memref<1x2048xf32, #tpu.memory_space<hbm>>
        %dma_wait3A_203 = tpu.memref_squeeze %dma_wait3A_202 : memref<1x2048xf32, #tpu.memory_space<hbm>> -> memref<2048xf32, #tpu.memory_space<hbm>>
        %dma_wait3A_204 = arith.constant 0 : i32
        %dma_wait3A_205 = tpu.memref_slice %arg7[%dma_wait3A_194, %dma_wait3A_204] : memref<2x2048xf32, #tpu.memory_space<vmem>> -> memref<1x2048xf32, #tpu.memory_space<vmem>>
        %dma_wait3A_206 = tpu.memref_squeeze %dma_wait3A_205 : memref<1x2048xf32, #tpu.memory_space<vmem>> -> memref<2048xf32, #tpu.memory_space<vmem>>
        tpu.wait_dma2 semaphore(%arg10 : memref<!tpu.dma_semaphore, #tpu.memory_space<semaphore_mem>>) src(%dma_wait3A_206 : memref<2048xf32, #tpu.memory_space<vmem>>) dst(%dma_wait3A_203 : memref<2048xf32, #tpu.memory_space<hbm>>)
      } else {
      }
      %add3A_91 = arith.addi %mul3A_2, %add3A_88 : i32
      %dma_wait3A_92 = arith.constant 0 : i32
      %dma_wait3A_93 = arith.constant 0 : i32
      %dma_wait3A_94 = tpu.memref_slice %arg6[%dma_wait3A_92, %dma_wait3A_93] : memref<2x8192xf32, #tpu.memory_space<vmem>> -> memref<1x8192xf32, #tpu.memory_space<vmem>>
      %dma_wait3A_95 = tpu.memref_squeeze %dma_wait3A_94 : memref<1x8192xf32, #tpu.memory_space<vmem>> -> memref<8192xf32, #tpu.memory_space<vmem>>
      %dma_wait3A_96 = arith.constant 0 : i32
      %dma_wait3A_97 = tpu.memref_slice %arg2[%add3A_91, %dma_wait3A_96] : memref<1024x8192xf32, #tpu.memory_space<hbm>> -> memref<1x8192xf32, #tpu.memory_space<hbm>>
      %dma_wait3A_98 = tpu.memref_squeeze %dma_wait3A_97 : memref<1x8192xf32, #tpu.memory_space<hbm>> -> memref<8192xf32, #tpu.memory_space<hbm>>
      %dma_wait3A_99 = arith.constant 0 : i32
      %dma_wait3A_100 = tpu.memref_slice %arg6[%dma_wait3A_92, %dma_wait3A_99] : memref<2x8192xf32, #tpu.memory_space<vmem>> -> memref<1x8192xf32, #tpu.memory_space<vmem>>
      %dma_wait3A_101 = tpu.memref_squeeze %dma_wait3A_100 : memref<1x8192xf32, #tpu.memory_space<vmem>> -> memref<8192xf32, #tpu.memory_space<vmem>>
      %dma_wait3A_102 = arith.constant 0 : i32
      %dma_wait3A_103 = tpu.memref_slice %arg2[%add3A_91, %dma_wait3A_102] : memref<1024x8192xf32, #tpu.memory_space<hbm>> -> memref<1x8192xf32, #tpu.memory_space<hbm>>
      %dma_wait3A_104 = tpu.memref_squeeze %dma_wait3A_103 : memref<1x8192xf32, #tpu.memory_space<hbm>> -> memref<8192xf32, #tpu.memory_space<hbm>>
      tpu.wait_dma2 semaphore(%arg8 : memref<!tpu.dma_semaphore, #tpu.memory_space<semaphore_mem>>) src(%dma_wait3A_104 : memref<8192xf32, #tpu.memory_space<hbm>>) dst(%dma_wait3A_101 : memref<8192xf32, #tpu.memory_space<vmem>>)
      %broadcast_in_dim3A = arith.constant 0 : i32
      %broadcast_in_dim3A_105 = vector.broadcast %broadcast_in_dim3A : i32 to vector<16xi32>
      %scan3A_106 = arith.constant 0 : i32
      %scan3A_107 = arith.constant 0 : i32
      %scan3A_108 = arith.constant 32 : i32
      %scan3A_109 = arith.addi %scan3A_107, %scan3A_108 : i32
      %scan3A_110 = arith.constant 1 : i32
      %scan3A_111 = scf.for %scan3A_187 = %scan3A_107 to %scan3A_109 step %scan3A_110 iter_args(%scan3A_188 = %scan3A_106) -> (i32)  : i32 {
        %mul3A_189 = arith.constant 64 : i32
        %mul3A_190 = arith.muli %scan3A_187, %mul3A_189 : i32
        %add3A_191 = arith.constant 0 : i32
        %add3A_192 = arith.addi %mul3A_190, %add3A_191 : i32
        %get3A = arith.index_cast %add3A_192 : i32 to index
        %get3A_193 = tpu.vector_load %arg5[%get3A] {strides = array<i32>} : memref<2048xi32, #tpu.memory_space<vmem>>, vector<16xi32>,
        %gather3A = tpu.vector_load_idx %arg6[%broadcast_in_dim3A_105, %get3A_193] : memref<2x8192xf32, #tpu.memory_space<vmem>>[vector<16xi32>, vector<16xi32>], vector<16xf32>,
        %swap3A = arith.constant 0 : i32
        %swap3A_194 = arith.index_cast %swap3A : i32 to index
        %swap3A_195 = arith.index_cast %add3A_192 : i32 to index
        %swap3A_196 = tpu.vector_load %arg7[%swap3A_194, %swap3A_195] {strides = array<i32>} : memref<2x2048xf32, #tpu.memory_space<vmem>>, vector<16xf32>,
        tpu.vector_store %arg7[%swap3A_194, %swap3A_195], %gather3A {strides = array<i32>} : memref<2x2048xf32, #tpu.memory_space<vmem>>, vector<16xf32>,
        %mul3A_197 = arith.constant 64 : i32
        %mul3A_198 = arith.muli %scan3A_187, %mul3A_197 : i32
        %add3A_199 = arith.constant 16 : i32
        %add3A_200 = arith.addi %mul3A_198, %add3A_199 : i32
        %get3A_201 = arith.index_cast %add3A_200 : i32 to index
        %get3A_202 = tpu.vector_load %arg5[%get3A_201] {strides = array<i32>} : memref<2048xi32, #tpu.memory_space<vmem>>, vector<16xi32>,
        %gather3A_203 = tpu.vector_load_idx %arg6[%broadcast_in_dim3A_105, %get3A_202] : memref<2x8192xf32, #tpu.memory_space<vmem>>[vector<16xi32>, vector<16xi32>], vector<16xf32>,
        %swap3A_204 = arith.constant 0 : i32
        %swap3A_205 = arith.index_cast %swap3A_204 : i32 to index
        %swap3A_206 = arith.index_cast %add3A_200 : i32 to index
        %swap3A_207 = tpu.vector_load %arg7[%swap3A_205, %swap3A_206] {strides = array<i32>} : memref<2x2048xf32, #tpu.memory_space<vmem>>, vector<16xf32>,
        tpu.vector_store %arg7[%swap3A_205, %swap3A_206], %gather3A_203 {strides = array<i32>} : memref<2x2048xf32, #tpu.memory_space<vmem>>, vector<16xf32>,
        %mul3A_208 = arith.constant 64 : i32
        %mul3A_209 = arith.muli %scan3A_187, %mul3A_208 : i32
        %add3A_210 = arith.constant 32 : i32
        %add3A_211 = arith.addi %mul3A_209, %add3A_210 : i32
        %get3A_212 = arith.index_cast %add3A_211 : i32 to index
        %get3A_213 = tpu.vector_load %arg5[%get3A_212] {strides = array<i32>} : memref<2048xi32, #tpu.memory_space<vmem>>, vector<16xi32>,
        %gather3A_214 = tpu.vector_load_idx %arg6[%broadcast_in_dim3A_105, %get3A_213] : memref<2x8192xf32, #tpu.memory_space<vmem>>[vector<16xi32>, vector<16xi32>], vector<16xf32>,
        %swap3A_215 = arith.constant 0 : i32
        %swap3A_216 = arith.index_cast %swap3A_215 : i32 to index
        %swap3A_217 = arith.index_cast %add3A_211 : i32 to index
        %swap3A_218 = tpu.vector_load %arg7[%swap3A_216, %swap3A_217] {strides = array<i32>} : memref<2x2048xf32, #tpu.memory_space<vmem>>, vector<16xf32>,
        tpu.vector_store %arg7[%swap3A_216, %swap3A_217], %gather3A_214 {strides = array<i32>} : memref<2x2048xf32, #tpu.memory_space<vmem>>, vector<16xf32>,
        %mul3A_219 = arith.constant 64 : i32
        %mul3A_220 = arith.muli %scan3A_187, %mul3A_219 : i32
        %add3A_221 = arith.constant 48 : i32
        %add3A_222 = arith.addi %mul3A_220, %add3A_221 : i32
        %get3A_223 = arith.index_cast %add3A_222 : i32 to index
        %get3A_224 = tpu.vector_load %arg5[%get3A_223] {strides = array<i32>} : memref<2048xi32, #tpu.memory_space<vmem>>, vector<16xi32>,
        %gather3A_225 = tpu.vector_load_idx %arg6[%broadcast_in_dim3A_105, %get3A_224] : memref<2x8192xf32, #tpu.memory_space<vmem>>[vector<16xi32>, vector<16xi32>], vector<16xf32>,
        %swap3A_226 = arith.constant 0 : i32
        %swap3A_227 = arith.index_cast %swap3A_226 : i32 to index
        %swap3A_228 = arith.index_cast %add3A_222 : i32 to index
        %swap3A_229 = tpu.vector_load %arg7[%swap3A_227, %swap3A_228] {strides = array<i32>} : memref<2x2048xf32, #tpu.memory_space<vmem>>, vector<16xf32>,
        tpu.vector_store %arg7[%swap3A_227, %swap3A_228], %gather3A_225 {strides = array<i32>} : memref<2x2048xf32, #tpu.memory_space<vmem>>, vector<16xf32>,
        %scan3A_230 = arith.constant 0 : i32
        scf.yield %scan3A_230 : i32
      }
      %scan3A_112 = arith.constant 32 : i32
      %add3A_113 = arith.addi %mul3A_2, %add3A_88 : i32
      %dma_start3A_114 = arith.constant 0 : i32
      %dma_start3A_115 = arith.constant 0 : i32
      %dma_start3A_116 = tpu.memref_slice %arg7[%dma_start3A_114, %dma_start3A_115] : memref<2x2048xf32, #tpu.memory_space<vmem>> -> memref<1x2048xf32, #tpu.memory_space<vmem>>
      %dma_start3A_117 = tpu.memref_squeeze %dma_start3A_116 : memref<1x2048xf32, #tpu.memory_space<vmem>> -> memref<2048xf32, #tpu.memory_space<vmem>>
      %dma_start3A_118 = arith.constant 0 : i32
      %dma_start3A_119 = tpu.memref_slice %arg4[%add3A_113, %dma_start3A_118] : memref<1024x2048xf32, #tpu.memory_space<hbm>> -> memref<1x2048xf32, #tpu.memory_space<hbm>>
      %dma_start3A_120 = tpu.memref_squeeze %dma_start3A_119 : memref<1x2048xf32, #tpu.memory_space<hbm>> -> memref<2048xf32, #tpu.memory_space<hbm>>
      %dma_start3A_121 = arith.constant 0 : i32
      %dma_start3A_122 = tpu.memref_slice %arg4[%add3A_113, %dma_start3A_121] : memref<1024x2048xf32, #tpu.memory_space<hbm>> -> memref<1x2048xf32, #tpu.memory_space<hbm>>
      %dma_start3A_123 = tpu.memref_squeeze %dma_start3A_122 : memref<1x2048xf32, #tpu.memory_space<hbm>> -> memref<2048xf32, #tpu.memory_space<hbm>>
      %dma_start3A_124 = arith.constant 0 : i32
      %dma_start3A_125 = tpu.memref_slice %arg7[%dma_start3A_114, %dma_start3A_124] : memref<2x2048xf32, #tpu.memory_space<vmem>> -> memref<1x2048xf32, #tpu.memory_space<vmem>>
      %dma_start3A_126 = tpu.memref_squeeze %dma_start3A_125 : memref<1x2048xf32, #tpu.memory_space<vmem>> -> memref<2048xf32, #tpu.memory_space<vmem>>
      tpu.enqueue_dma source(%dma_start3A_126 : memref<2048xf32, #tpu.memory_space<vmem>>) target(%dma_start3A_123 : memref<2048xf32, #tpu.memory_space<hbm>>) target_semaphore(%arg10 : memref<!tpu.dma_semaphore, #tpu.memory_space<semaphore_mem>>)
      %add3A_127 = arith.constant 1 : i32
      %add3A_128 = arith.addi %scan3A_83, %add3A_127 : i32
      %lt3A = arith.constant 16 : i32
      %lt3A_129 = arith.cmpi slt, %add3A_128, %lt3A : i32
      %convert_element_type3A_130 = arith.extui %lt3A_129 : i1 to i32
      %cond3A_131 = arith.constant 0 : i32
      %cond3A_132 = arith.cmpi ne, %convert_element_type3A_130, %cond3A_131 : i32
      scf.if %cond3A_132 {
        %add3A_187 = arith.constant 2 : i32
        %add3A_188 = arith.addi %add3A_88, %add3A_187 : i32
        %add3A_189 = arith.addi %mul3A_2, %add3A_188 : i32
        %dma_start3A_190 = arith.constant 0 : i32
        %dma_start3A_191 = arith.constant 0 : i32
        %dma_start3A_192 = tpu.memref_slice %arg6[%dma_start3A_190, %dma_start3A_191] : memref<2x8192xf32, #tpu.memory_space<vmem>> -> memref<1x8192xf32, #tpu.memory_space<vmem>>
        %dma_start3A_193 = tpu.memref_squeeze %dma_start3A_192 : memref<1x8192xf32, #tpu.memory_space<vmem>> -> memref<8192xf32, #tpu.memory_space<vmem>>
        %dma_start3A_194 = arith.constant 0 : i32
        %dma_start3A_195 = tpu.memref_slice %arg2[%add3A_189, %dma_start3A_194] : memref<1024x8192xf32, #tpu.memory_space<hbm>> -> memref<1x8192xf32, #tpu.memory_space<hbm>>
        %dma_start3A_196 = tpu.memref_squeeze %dma_start3A_195 : memref<1x8192xf32, #tpu.memory_space<hbm>> -> memref<8192xf32, #tpu.memory_space<hbm>>
        %dma_start3A_197 = arith.constant 0 : i32
        %dma_start3A_198 = tpu.memref_slice %arg6[%dma_start3A_190, %dma_start3A_197] : memref<2x8192xf32, #tpu.memory_space<vmem>> -> memref<1x8192xf32, #tpu.memory_space<vmem>>
        %dma_start3A_199 = tpu.memref_squeeze %dma_start3A_198 : memref<1x8192xf32, #tpu.memory_space<vmem>> -> memref<8192xf32, #tpu.memory_space<vmem>>
        %dma_start3A_200 = arith.constant 0 : i32
        %dma_start3A_201 = tpu.memref_slice %arg2[%add3A_189, %dma_start3A_200] : memref<1024x8192xf32, #tpu.memory_space<hbm>> -> memref<1x8192xf32, #tpu.memory_space<hbm>>
        %dma_start3A_202 = tpu.memref_squeeze %dma_start3A_201 : memref<1x8192xf32, #tpu.memory_space<hbm>> -> memref<8192xf32, #tpu.memory_space<hbm>>
        tpu.enqueue_dma source(%dma_start3A_202 : memref<8192xf32, #tpu.memory_space<hbm>>) target(%dma_start3A_199 : memref<8192xf32, #tpu.memory_space<vmem>>) target_semaphore(%arg8 : memref<!tpu.dma_semaphore, #tpu.memory_space<semaphore_mem>>)
      } else {
      }
      %mul3A_133 = arith.constant 2 : i32
      %mul3A_134 = arith.muli %mul3A_133, %scan3A_83 : i32
      %add3A_135 = arith.constant 1 : i32
      %add3A_136 = arith.addi %mul3A_134, %add3A_135 : i32
      %gt3A_137 = arith.constant 0 : i32
      %gt3A_138 = arith.cmpi sgt, %scan3A_83, %gt3A_137 : i32
      %convert_element_type3A_139 = arith.extui %gt3A_138 : i1 to i32
      %cond3A_140 = arith.constant 0 : i32
      %cond3A_141 = arith.cmpi ne, %convert_element_type3A_139, %cond3A_140 : i32
      scf.if %cond3A_141 {
        %sub3A_187 = arith.constant 1 : i32
        %sub3A_188 = arith.subi %scan3A_83, %sub3A_187 : i32
        %mul3A_189 = arith.constant 2 : i32
        %mul3A_190 = arith.muli %mul3A_189, %sub3A_188 : i32
        %add3A_191 = arith.constant 1 : i32
        %add3A_192 = arith.addi %mul3A_190, %add3A_191 : i32
        %add3A_193 = arith.addi %mul3A_2, %add3A_192 : i32
        %dma_wait3A_194 = arith.constant 1 : i32
        %dma_wait3A_195 = arith.constant 0 : i32
        %dma_wait3A_196 = tpu.memref_slice %arg7[%dma_wait3A_194, %dma_wait3A_195] : memref<2x2048xf32, #tpu.memory_space<vmem>> -> memref<1x2048xf32, #tpu.memory_space<vmem>>
        %dma_wait3A_197 = tpu.memref_squeeze %dma_wait3A_196 : memref<1x2048xf32, #tpu.memory_space<vmem>> -> memref<2048xf32, #tpu.memory_space<vmem>>
        %dma_wait3A_198 = arith.constant 0 : i32
        %dma_wait3A_199 = tpu.memref_slice %arg4[%add3A_193, %dma_wait3A_198] : memref<1024x2048xf32, #tpu.memory_space<hbm>> -> memref<1x2048xf32, #tpu.memory_space<hbm>>
        %dma_wait3A_200 = tpu.memref_squeeze %dma_wait3A_199 : memref<1x2048xf32, #tpu.memory_space<hbm>> -> memref<2048xf32, #tpu.memory_space<hbm>>
        %dma_wait3A_201 = arith.constant 0 : i32
        %dma_wait3A_202 = tpu.memref_slice %arg4[%add3A_193, %dma_wait3A_201] : memref<1024x2048xf32, #tpu.memory_space<hbm>> -> memref<1x2048xf32, #tpu.memory_space<hbm>>
        %dma_wait3A_203 = tpu.memref_squeeze %dma_wait3A_202 : memref<1x2048xf32, #tpu.memory_space<hbm>> -> memref<2048xf32, #tpu.memory_space<hbm>>
        %dma_wait3A_204 = arith.constant 0 : i32
        %dma_wait3A_205 = tpu.memref_slice %arg7[%dma_wait3A_194, %dma_wait3A_204] : memref<2x2048xf32, #tpu.memory_space<vmem>> -> memref<1x2048xf32, #tpu.memory_space<vmem>>
        %dma_wait3A_206 = tpu.memref_squeeze %dma_wait3A_205 : memref<1x2048xf32, #tpu.memory_space<vmem>> -> memref<2048xf32, #tpu.memory_space<vmem>>
        tpu.wait_dma2 semaphore(%arg11 : memref<!tpu.dma_semaphore, #tpu.memory_space<semaphore_mem>>) src(%dma_wait3A_206 : memref<2048xf32, #tpu.memory_space<vmem>>) dst(%dma_wait3A_203 : memref<2048xf32, #tpu.memory_space<hbm>>)
      } else {
      }
      %add3A_142 = arith.addi %mul3A_2, %add3A_136 : i32
      %dma_wait3A_143 = arith.constant 1 : i32
      %dma_wait3A_144 = arith.constant 0 : i32
      %dma_wait3A_145 = tpu.memref_slice %arg6[%dma_wait3A_143, %dma_wait3A_144] : memref<2x8192xf32, #tpu.memory_space<vmem>> -> memref<1x8192xf32, #tpu.memory_space<vmem>>
      %dma_wait3A_146 = tpu.memref_squeeze %dma_wait3A_145 : memref<1x8192xf32, #tpu.memory_space<vmem>> -> memref<8192xf32, #tpu.memory_space<vmem>>
      %dma_wait3A_147 = arith.constant 0 : i32
      %dma_wait3A_148 = tpu.memref_slice %arg2[%add3A_142, %dma_wait3A_147] : memref<1024x8192xf32, #tpu.memory_space<hbm>> -> memref<1x8192xf32, #tpu.memory_space<hbm>>
      %dma_wait3A_149 = tpu.memref_squeeze %dma_wait3A_148 : memref<1x8192xf32, #tpu.memory_space<hbm>> -> memref<8192xf32, #tpu.memory_space<hbm>>
      %dma_wait3A_150 = arith.constant 0 : i32
      %dma_wait3A_151 = tpu.memref_slice %arg6[%dma_wait3A_143, %dma_wait3A_150] : memref<2x8192xf32, #tpu.memory_space<vmem>> -> memref<1x8192xf32, #tpu.memory_space<vmem>>
      %dma_wait3A_152 = tpu.memref_squeeze %dma_wait3A_151 : memref<1x8192xf32, #tpu.memory_space<vmem>> -> memref<8192xf32, #tpu.memory_space<vmem>>
      %dma_wait3A_153 = arith.constant 0 : i32
      %dma_wait3A_154 = tpu.memref_slice %arg2[%add3A_142, %dma_wait3A_153] : memref<1024x8192xf32, #tpu.memory_space<hbm>> -> memref<1x8192xf32, #tpu.memory_space<hbm>>
      %dma_wait3A_155 = tpu.memref_squeeze %dma_wait3A_154 : memref<1x8192xf32, #tpu.memory_space<hbm>> -> memref<8192xf32, #tpu.memory_space<hbm>>
      tpu.wait_dma2 semaphore(%arg9 : memref<!tpu.dma_semaphore, #tpu.memory_space<semaphore_mem>>) src(%dma_wait3A_155 : memref<8192xf32, #tpu.memory_space<hbm>>) dst(%dma_wait3A_152 : memref<8192xf32, #tpu.memory_space<vmem>>)
      %broadcast_in_dim3A_156 = arith.constant 1 : i32
      %broadcast_in_dim3A_157 = vector.broadcast %broadcast_in_dim3A_156 : i32 to vector<16xi32>
      %scan3A_158 = arith.constant 0 : i32
      %scan3A_159 = arith.constant 0 : i32
      %scan3A_160 = arith.constant 32 : i32
      %scan3A_161 = arith.addi %scan3A_159, %scan3A_160 : i32
      %scan3A_162 = arith.constant 1 : i32
      %scan3A_163 = scf.for %scan3A_187 = %scan3A_159 to %scan3A_161 step %scan3A_162 iter_args(%scan3A_188 = %scan3A_158) -> (i32)  : i32 {
        %mul3A_189 = arith.constant 64 : i32
        %mul3A_190 = arith.muli %scan3A_187, %mul3A_189 : i32
        %add3A_191 = arith.constant 0 : i32
        %add3A_192 = arith.addi %mul3A_190, %add3A_191 : i32
        %get3A = arith.index_cast %add3A_192 : i32 to index
        %get3A_193 = tpu.vector_load %arg5[%get3A] {strides = array<i32>} : memref<2048xi32, #tpu.memory_space<vmem>>, vector<16xi32>,
        %gather3A = tpu.vector_load_idx %arg6[%broadcast_in_dim3A_157, %get3A_193] : memref<2x8192xf32, #tpu.memory_space<vmem>>[vector<16xi32>, vector<16xi32>], vector<16xf32>,
        %swap3A = arith.constant 1 : i32
        %swap3A_194 = arith.index_cast %swap3A : i32 to index
        %swap3A_195 = arith.index_cast %add3A_192 : i32 to index
        %swap3A_196 = tpu.vector_load %arg7[%swap3A_194, %swap3A_195] {strides = array<i32>} : memref<2x2048xf32, #tpu.memory_space<vmem>>, vector<16xf32>,
        tpu.vector_store %arg7[%swap3A_194, %swap3A_195], %gather3A {strides = array<i32>} : memref<2x2048xf32, #tpu.memory_space<vmem>>, vector<16xf32>,
        %mul3A_197 = arith.constant 64 : i32
        %mul3A_198 = arith.muli %scan3A_187, %mul3A_197 : i32
        %add3A_199 = arith.constant 16 : i32
        %add3A_200 = arith.addi %mul3A_198, %add3A_199 : i32
        %get3A_201 = arith.index_cast %add3A_200 : i32 to index
        %get3A_202 = tpu.vector_load %arg5[%get3A_201] {strides = array<i32>} : memref<2048xi32, #tpu.memory_space<vmem>>, vector<16xi32>,
        %gather3A_203 = tpu.vector_load_idx %arg6[%broadcast_in_dim3A_157, %get3A_202] : memref<2x8192xf32, #tpu.memory_space<vmem>>[vector<16xi32>, vector<16xi32>], vector<16xf32>,
        %swap3A_204 = arith.constant 1 : i32
        %swap3A_205 = arith.index_cast %swap3A_204 : i32 to index
        %swap3A_206 = arith.index_cast %add3A_200 : i32 to index
        %swap3A_207 = tpu.vector_load %arg7[%swap3A_205, %swap3A_206] {strides = array<i32>} : memref<2x2048xf32, #tpu.memory_space<vmem>>, vector<16xf32>,
        tpu.vector_store %arg7[%swap3A_205, %swap3A_206], %gather3A_203 {strides = array<i32>} : memref<2x2048xf32, #tpu.memory_space<vmem>>, vector<16xf32>,
        %mul3A_208 = arith.constant 64 : i32
        %mul3A_209 = arith.muli %scan3A_187, %mul3A_208 : i32
        %add3A_210 = arith.constant 32 : i32
        %add3A_211 = arith.addi %mul3A_209, %add3A_210 : i32
        %get3A_212 = arith.index_cast %add3A_211 : i32 to index
        %get3A_213 = tpu.vector_load %arg5[%get3A_212] {strides = array<i32>} : memref<2048xi32, #tpu.memory_space<vmem>>, vector<16xi32>,
        %gather3A_214 = tpu.vector_load_idx %arg6[%broadcast_in_dim3A_157, %get3A_213] : memref<2x8192xf32, #tpu.memory_space<vmem>>[vector<16xi32>, vector<16xi32>], vector<16xf32>,
        %swap3A_215 = arith.constant 1 : i32
        %swap3A_216 = arith.index_cast %swap3A_215 : i32 to index
        %swap3A_217 = arith.index_cast %add3A_211 : i32 to index
        %swap3A_218 = tpu.vector_load %arg7[%swap3A_216, %swap3A_217] {strides = array<i32>} : memref<2x2048xf32, #tpu.memory_space<vmem>>, vector<16xf32>,
        tpu.vector_store %arg7[%swap3A_216, %swap3A_217], %gather3A_214 {strides = array<i32>} : memref<2x2048xf32, #tpu.memory_space<vmem>>, vector<16xf32>,
        %mul3A_219 = arith.constant 64 : i32
        %mul3A_220 = arith.muli %scan3A_187, %mul3A_219 : i32
        %add3A_221 = arith.constant 48 : i32
        %add3A_222 = arith.addi %mul3A_220, %add3A_221 : i32
        %get3A_223 = arith.index_cast %add3A_222 : i32 to index
        %get3A_224 = tpu.vector_load %arg5[%get3A_223] {strides = array<i32>} : memref<2048xi32, #tpu.memory_space<vmem>>, vector<16xi32>,
        %gather3A_225 = tpu.vector_load_idx %arg6[%broadcast_in_dim3A_157, %get3A_224] : memref<2x8192xf32, #tpu.memory_space<vmem>>[vector<16xi32>, vector<16xi32>], vector<16xf32>,
        %swap3A_226 = arith.constant 1 : i32
        %swap3A_227 = arith.index_cast %swap3A_226 : i32 to index
        %swap3A_228 = arith.index_cast %add3A_222 : i32 to index
        %swap3A_229 = tpu.vector_load %arg7[%swap3A_227, %swap3A_228] {strides = array<i32>} : memref<2x2048xf32, #tpu.memory_space<vmem>>, vector<16xf32>,
        tpu.vector_store %arg7[%swap3A_227, %swap3A_228], %gather3A_225 {strides = array<i32>} : memref<2x2048xf32, #tpu.memory_space<vmem>>, vector<16xf32>,
        %scan3A_230 = arith.constant 0 : i32
        scf.yield %scan3A_230 : i32
      }
      %scan3A_164 = arith.constant 32 : i32
      %add3A_165 = arith.addi %mul3A_2, %add3A_136 : i32
      %dma_start3A_166 = arith.constant 1 : i32
      %dma_start3A_167 = arith.constant 0 : i32
      %dma_start3A_168 = tpu.memref_slice %arg7[%dma_start3A_166, %dma_start3A_167] : memref<2x2048xf32, #tpu.memory_space<vmem>> -> memref<1x2048xf32, #tpu.memory_space<vmem>>
      %dma_start3A_169 = tpu.memref_squeeze %dma_start3A_168 : memref<1x2048xf32, #tpu.memory_space<vmem>> -> memref<2048xf32, #tpu.memory_space<vmem>>
      %dma_start3A_170 = arith.constant 0 : i32
      %dma_start3A_171 = tpu.memref_slice %arg4[%add3A_165, %dma_start3A_170] : memref<1024x2048xf32, #tpu.memory_space<hbm>> -> memref<1x2048xf32, #tpu.memory_space<hbm>>
      %dma_start3A_172 = tpu.memref_squeeze %dma_start3A_171 : memref<1x2048xf32, #tpu.memory_space<hbm>> -> memref<2048xf32, #tpu.memory_space<hbm>>
      %dma_start3A_173 = arith.constant 0 : i32
      %dma_start3A_174 = tpu.memref_slice %arg4[%add3A_165, %dma_start3A_173] : memref<1024x2048xf32, #tpu.memory_space<hbm>> -> memref<1x2048xf32, #tpu.memory_space<hbm>>
      %dma_start3A_175 = tpu.memref_squeeze %dma_start3A_174 : memref<1x2048xf32, #tpu.memory_space<hbm>> -> memref<2048xf32, #tpu.memory_space<hbm>>
      %dma_start3A_176 = arith.constant 0 : i32
      %dma_start3A_177 = tpu.memref_slice %arg7[%dma_start3A_166, %dma_start3A_176] : memref<2x2048xf32, #tpu.memory_space<vmem>> -> memref<1x2048xf32, #tpu.memory_space<vmem>>
      %dma_start3A_178 = tpu.memref_squeeze %dma_start3A_177 : memref<1x2048xf32, #tpu.memory_space<vmem>> -> memref<2048xf32, #tpu.memory_space<vmem>>
      tpu.enqueue_dma source(%dma_start3A_178 : memref<2048xf32, #tpu.memory_space<vmem>>) target(%dma_start3A_175 : memref<2048xf32, #tpu.memory_space<hbm>>) target_semaphore(%arg11 : memref<!tpu.dma_semaphore, #tpu.memory_space<semaphore_mem>>)
      %add3A_179 = arith.constant 1 : i32
      %add3A_180 = arith.addi %scan3A_83, %add3A_179 : i32
      %lt3A_181 = arith.constant 16 : i32
      %lt3A_182 = arith.cmpi slt, %add3A_180, %lt3A_181 : i32
      %convert_element_type3A_183 = arith.extui %lt3A_182 : i1 to i32
      %cond3A_184 = arith.constant 0 : i32
      %cond3A_185 = arith.cmpi ne, %convert_element_type3A_183, %cond3A_184 : i32
      scf.if %cond3A_185 {
        %add3A_187 = arith.constant 2 : i32
        %add3A_188 = arith.addi %add3A_136, %add3A_187 : i32
        %add3A_189 = arith.addi %mul3A_2, %add3A_188 : i32
        %dma_start3A_190 = arith.constant 1 : i32
        %dma_start3A_191 = arith.constant 0 : i32
        %dma_start3A_192 = tpu.memref_slice %arg6[%dma_start3A_190, %dma_start3A_191] : memref<2x8192xf32, #tpu.memory_space<vmem>> -> memref<1x8192xf32, #tpu.memory_space<vmem>>
        %dma_start3A_193 = tpu.memref_squeeze %dma_start3A_192 : memref<1x8192xf32, #tpu.memory_space<vmem>> -> memref<8192xf32, #tpu.memory_space<vmem>>
        %dma_start3A_194 = arith.constant 0 : i32
        %dma_start3A_195 = tpu.memref_slice %arg2[%add3A_189, %dma_start3A_194] : memref<1024x8192xf32, #tpu.memory_space<hbm>> -> memref<1x8192xf32, #tpu.memory_space<hbm>>
        %dma_start3A_196 = tpu.memref_squeeze %dma_start3A_195 : memref<1x8192xf32, #tpu.memory_space<hbm>> -> memref<8192xf32, #tpu.memory_space<hbm>>
        %dma_start3A_197 = arith.constant 0 : i32
        %dma_start3A_198 = tpu.memref_slice %arg6[%dma_start3A_190, %dma_start3A_197] : memref<2x8192xf32, #tpu.memory_space<vmem>> -> memref<1x8192xf32, #tpu.memory_space<vmem>>
        %dma_start3A_199 = tpu.memref_squeeze %dma_start3A_198 : memref<1x8192xf32, #tpu.memory_space<vmem>> -> memref<8192xf32, #tpu.memory_space<vmem>>
        %dma_start3A_200 = arith.constant 0 : i32
        %dma_start3A_201 = tpu.memref_slice %arg2[%add3A_189, %dma_start3A_200] : memref<1024x8192xf32, #tpu.memory_space<hbm>> -> memref<1x8192xf32, #tpu.memory_space<hbm>>
        %dma_start3A_202 = tpu.memref_squeeze %dma_start3A_201 : memref<1x8192xf32, #tpu.memory_space<hbm>> -> memref<8192xf32, #tpu.memory_space<hbm>>
        tpu.enqueue_dma source(%dma_start3A_202 : memref<8192xf32, #tpu.memory_space<hbm>>) target(%dma_start3A_199 : memref<8192xf32, #tpu.memory_space<vmem>>) target_semaphore(%arg9 : memref<!tpu.dma_semaphore, #tpu.memory_space<semaphore_mem>>)
      } else {
      }
      %scan3A_186 = arith.constant 0 : i32
      scf.yield %scan3A_186 : i32
    }
    %scan3A_53 = arith.constant 16 : i32
    %add3A_54 = arith.constant 30 : i32
    %add3A_55 = arith.addi %mul3A_2, %add3A_54 : i32
    %dma_wait3A = arith.constant 0 : i32
    %dma_wait3A_56 = arith.constant 0 : i32
    %dma_wait3A_57 = tpu.memref_slice %arg7[%dma_wait3A, %dma_wait3A_56] : memref<2x2048xf32, #tpu.memory_space<vmem>> -> memref<1x2048xf32, #tpu.memory_space<vmem>>
    %dma_wait3A_58 = tpu.memref_squeeze %dma_wait3A_57 : memref<1x2048xf32, #tpu.memory_space<vmem>> -> memref<2048xf32, #tpu.memory_space<vmem>>
    %dma_wait3A_59 = arith.constant 0 : i32
    %dma_wait3A_60 = tpu.memref_slice %arg4[%add3A_55, %dma_wait3A_59] : memref<1024x2048xf32, #tpu.memory_space<hbm>> -> memref<1x2048xf32, #tpu.memory_space<hbm>>
    %dma_wait3A_61 = tpu.memref_squeeze %dma_wait3A_60 : memref<1x2048xf32, #tpu.memory_space<hbm>> -> memref<2048xf32, #tpu.memory_space<hbm>>
    %dma_wait3A_62 = arith.constant 0 : i32
    %dma_wait3A_63 = tpu.memref_slice %arg4[%add3A_55, %dma_wait3A_62] : memref<1024x2048xf32, #tpu.memory_space<hbm>> -> memref<1x2048xf32, #tpu.memory_space<hbm>>
    %dma_wait3A_64 = tpu.memref_squeeze %dma_wait3A_63 : memref<1x2048xf32, #tpu.memory_space<hbm>> -> memref<2048xf32, #tpu.memory_space<hbm>>
    %dma_wait3A_65 = arith.constant 0 : i32
    %dma_wait3A_66 = tpu.memref_slice %arg7[%dma_wait3A, %dma_wait3A_65] : memref<2x2048xf32, #tpu.memory_space<vmem>> -> memref<1x2048xf32, #tpu.memory_space<vmem>>
    %dma_wait3A_67 = tpu.memref_squeeze %dma_wait3A_66 : memref<1x2048xf32, #tpu.memory_space<vmem>> -> memref<2048xf32, #tpu.memory_space<vmem>>
    tpu.wait_dma2 semaphore(%arg10 : memref<!tpu.dma_semaphore, #tpu.memory_space<semaphore_mem>>) src(%dma_wait3A_67 : memref<2048xf32, #tpu.memory_space<vmem>>) dst(%dma_wait3A_64 : memref<2048xf32, #tpu.memory_space<hbm>>)
    %add3A_68 = arith.constant 31 : i32
    %add3A_69 = arith.addi %mul3A_2, %add3A_68 : i32
    %dma_wait3A_70 = arith.constant 1 : i32
    %dma_wait3A_71 = arith.constant 0 : i32
    %dma_wait3A_72 = tpu.memref_slice %arg7[%dma_wait3A_70, %dma_wait3A_71] : memref<2x2048xf32, #tpu.memory_space<vmem>> -> memref<1x2048xf32, #tpu.memory_space<vmem>>
    %dma_wait3A_73 = tpu.memref_squeeze %dma_wait3A_72 : memref<1x2048xf32, #tpu.memory_space<vmem>> -> memref<2048xf32, #tpu.memory_space<vmem>>
    %dma_wait3A_74 = arith.constant 0 : i32
    %dma_wait3A_75 = tpu.memref_slice %arg4[%add3A_69, %dma_wait3A_74] : memref<1024x2048xf32, #tpu.memory_space<hbm>> -> memref<1x2048xf32, #tpu.memory_space<hbm>>
    %dma_wait3A_76 = tpu.memref_squeeze %dma_wait3A_75 : memref<1x2048xf32, #tpu.memory_space<hbm>> -> memref<2048xf32, #tpu.memory_space<hbm>>
    %dma_wait3A_77 = arith.constant 0 : i32
    %dma_wait3A_78 = tpu.memref_slice %arg4[%add3A_69, %dma_wait3A_77] : memref<1024x2048xf32, #tpu.memory_space<hbm>> -> memref<1x2048xf32, #tpu.memory_space<hbm>>
    %dma_wait3A_79 = tpu.memref_squeeze %dma_wait3A_78 : memref<1x2048xf32, #tpu.memory_space<hbm>> -> memref<2048xf32, #tpu.memory_space<hbm>>
    %dma_wait3A_80 = arith.constant 0 : i32
    %dma_wait3A_81 = tpu.memref_slice %arg7[%dma_wait3A_70, %dma_wait3A_80] : memref<2x2048xf32, #tpu.memory_space<vmem>> -> memref<1x2048xf32, #tpu.memory_space<vmem>>
    %dma_wait3A_82 = tpu.memref_squeeze %dma_wait3A_81 : memref<1x2048xf32, #tpu.memory_space<vmem>> -> memref<2048xf32, #tpu.memory_space<vmem>>
    tpu.wait_dma2 semaphore(%arg11 : memref<!tpu.dma_semaphore, #tpu.memory_space<semaphore_mem>>) src(%dma_wait3A_82 : memref<2048xf32, #tpu.memory_space<vmem>>) dst(%dma_wait3A_79 : memref<2048xf32, #tpu.memory_space<hbm>>)
    return
  }
}

module attributes {stable_mosaic.version = 14 : i64} {
  func.func @_fps_body(%arg0: memref<2x3x8x4096xf32, #tpu.memory_space<vmem>>, %arg1: memref<8x2048xi32, #tpu.memory_space<vmem>>, %arg2: memref<8x2048xf32, #tpu.memory_space<vmem>>, %arg3: memref<8x2048xf32, #tpu.memory_space<vmem>>, %arg4: memref<8x2048xf32, #tpu.memory_space<vmem>>, %arg5: memref<2x8x4096xf32, #tpu.memory_space<vmem>>) attributes {dimension_semantics = [], scalar_prefetch = 0 : i64, scratch_operands = 1 : i64, tpu.core_type = #tpu.core_type<tc>} {
    %iota3A = tpu.iota {dimensions = array<i32: 0>} : vector<8x4096xi32>
    %iota3A_0 = tpu.iota {dimensions = array<i32: 1>} : vector<8x4096xi32>
    %jit3A = arith.constant 2 : i32
    %eq3A = arith.constant 0 : i32
    %eq3A_1 = arith.cmpi eq, %jit3A, %eq3A : i32
    %jit3A_2 = arith.constant 1 : i32
    %select_n3A = arith.select %eq3A_1, %jit3A_2, %jit3A : i32
    %rem3A = vector.broadcast %select_n3A : i32 to vector<8x4096xi32>
    %rem3A_3 = arith.remsi %iota3A, %rem3A : vector<8x4096xi32>
    %ne3A = arith.constant 0 : i32
    %ne3A_4 = vector.broadcast %ne3A : i32 to vector<8x4096xi32>
    %ne3A_5 = arith.cmpi ne, %rem3A_3, %ne3A_4 : vector<8x4096xi32>
    %lt3A = arith.constant 0 : i32
    %lt3A_6 = vector.broadcast %lt3A : i32 to vector<8x4096xi32>
    %lt3A_7 = arith.cmpi slt, %rem3A_3, %lt3A_6 : vector<8x4096xi32>
    %lt3A_8 = arith.constant 0 : i32
    %lt3A_9 = arith.cmpi slt, %select_n3A, %lt3A_8 : i32
    %ne3A_10 = vector.broadcast %lt3A_9 : i1 to vector<8x4096xi1>
    %ne3A_11 = vector.broadcast %ne3A_10 : vector<8x4096xi1> to vector<8x4096xi1>
    %ne3A_12 = arith.xori %lt3A_7, %ne3A_11 : vector<8x4096xi1>
    %and3A = arith.andi %ne3A_12, %ne3A_5 : vector<8x4096xi1>
    %add3A = vector.broadcast %select_n3A : i32 to vector<8x4096xi32>
    %add3A_13 = arith.addi %rem3A_3, %add3A : vector<8x4096xi32>
    %select_n3A_14 = arith.select %and3A, %add3A_13, %rem3A_3 : vector<8x4096xi1>, vector<8x4096xi32>
    %mul3A = arith.constant 4096 : i32
    %mul3A_15 = vector.broadcast %mul3A : i32 to vector<8x4096xi32>
    %mul3A_16 = arith.muli %select_n3A_14, %mul3A_15 : vector<8x4096xi32>
    %add3A_17 = arith.addi %mul3A_16, %iota3A_0 : vector<8x4096xi32>
    %convert_element_type3A = arith.sitofp %add3A_17 : vector<8x4096xi32> to vector<8x4096xf32>
    %iota3A_18 = tpu.iota {dimensions = array<i32: 1>} : vector<8x128xi32>
    %iota3A_19 = tpu.iota {dimensions = array<i32: 0>} : vector<8x1xi32>
    %jit3A_20 = arith.constant 2 : i32
    %eq3A_21 = arith.constant 0 : i32
    %eq3A_22 = arith.cmpi eq, %jit3A_20, %eq3A_21 : i32
    %jit3A_23 = arith.constant 1 : i32
    %select_n3A_24 = arith.select %eq3A_22, %jit3A_23, %jit3A_20 : i32
    %rem3A_25 = vector.broadcast %select_n3A_24 : i32 to vector<8x1xi32>
    %rem3A_26 = arith.remsi %iota3A_19, %rem3A_25 : vector<8x1xi32>
    %ne3A_27 = arith.constant 0 : i32
    %ne3A_28 = vector.broadcast %ne3A_27 : i32 to vector<8x1xi32>
    %ne3A_29 = arith.cmpi ne, %rem3A_26, %ne3A_28 : vector<8x1xi32>
    %lt3A_30 = arith.constant 0 : i32
    %lt3A_31 = vector.broadcast %lt3A_30 : i32 to vector<8x1xi32>
    %lt3A_32 = arith.cmpi slt, %rem3A_26, %lt3A_31 : vector<8x1xi32>
    %lt3A_33 = arith.constant 0 : i32
    %lt3A_34 = arith.cmpi slt, %select_n3A_24, %lt3A_33 : i32
    %ne3A_35 = vector.broadcast %lt3A_34 : i1 to vector<8x1xi1>
    %ne3A_36 = vector.broadcast %ne3A_35 : vector<8x1xi1> to vector<8x1xi1>
    %ne3A_37 = arith.xori %lt3A_32, %ne3A_36 : vector<8x1xi1>
    %and3A_38 = arith.andi %ne3A_37, %ne3A_29 : vector<8x1xi1>
    %add3A_39 = vector.broadcast %select_n3A_24 : i32 to vector<8x1xi32>
    %add3A_40 = arith.addi %rem3A_26, %add3A_39 : vector<8x1xi32>
    %select_n3A_41 = arith.select %and3A_38, %add3A_40, %rem3A_26 : vector<8x1xi1>, vector<8x1xi32>
    %eq3A_42 = arith.constant 0 : i32
    %eq3A_43 = vector.broadcast %eq3A_42 : i32 to vector<8x1xi32>
    %eq3A_44 = arith.cmpi eq, %select_n3A_41, %eq3A_43 : vector<8x1xi32>
    %broadcast_in_dim3A = arith.constant 1.000000e+10 : f32
    %broadcast_in_dim3A_45 = vector.broadcast %broadcast_in_dim3A : f32 to vector<2x8x4096xf32>
    %swap3A = arith.constant 0 : index
    %swap3A_46 = arith.constant 0 : index
    %swap3A_47 = arith.constant 0 : index
    %swap3A_48 = vector.load %arg5[%swap3A, %swap3A_46, %swap3A_47] : memref<2x8x4096xf32, #tpu.memory_space<vmem>>, vector<2x8x4096xf32>
    tpu.vector_store %arg5[%swap3A, %swap3A_46, %swap3A_47], %broadcast_in_dim3A_45 {strides = array<i32>} : memref<2x8x4096xf32, #tpu.memory_space<vmem>>, vector<2x8x4096xf32>,
    %broadcast_in_dim3A_49 = arith.constant 1.000000e+10 : f32
    %broadcast_in_dim3A_50 = vector.broadcast %broadcast_in_dim3A_49 : f32 to vector<8x1xf32>
    %broadcast_in_dim3A_51 = arith.constant 0.000000e+00 : f32
    %broadcast_in_dim3A_52 = vector.broadcast %broadcast_in_dim3A_51 : f32 to vector<8x1xf32>
    %scan3A = arith.constant 0 : i32
    %scan3A_53 = arith.constant 16 : i32
    %scan3A_54 = arith.addi %scan3A, %scan3A_53 : i32
    %scan3A_55 = arith.constant 1 : i32
    %scan3A_56:2 = scf.for %scan3A_58 = %scan3A to %scan3A_54 step %scan3A_55 iter_args(%scan3A_59 = %broadcast_in_dim3A_50, %scan3A_60 = %broadcast_in_dim3A_52) -> (vector<8x1xf32>, vector<8x1xf32>)  : i32 {
      %broadcast_in_dim3A_61 = arith.constant 0.000000e+00 : f32
      %broadcast_in_dim3A_62 = vector.broadcast %broadcast_in_dim3A_61 : f32 to vector<8x128xf32>
      %scan3A_63 = arith.constant 0 : i32
      %scan3A_64 = arith.constant 128 : i32
      %scan3A_65 = arith.addi %scan3A_63, %scan3A_64 : i32
      %scan3A_66 = arith.constant 1 : i32
      %scan3A_67:6 = scf.for %scan3A_301 = %scan3A_63 to %scan3A_65 step %scan3A_66 iter_args(%scan3A_302 = %scan3A_59, %scan3A_303 = %scan3A_60, %scan3A_304 = %broadcast_in_dim3A_62, %scan3A_305 = %broadcast_in_dim3A_62, %scan3A_306 = %broadcast_in_dim3A_62, %scan3A_307 = %broadcast_in_dim3A_62) -> (vector<8x1xf32>, vector<8x1xf32>, vector<8x128xf32>, vector<8x128xf32>, vector<8x128xf32>, vector<8x128xf32>)  : i32 {
        %get3A = arith.constant 0 : index
        %get3A_308 = arith.constant 0 : index
        %get3A_309 = arith.constant 0 : index
        %get3A_310 = vector.load %arg5[%get3A, %get3A_308, %get3A_309] : memref<2x8x4096xf32, #tpu.memory_space<vmem>>, vector<1x8x4096xf32>
        %get3A_311 = vector.shape_cast %get3A_310 : vector<1x8x4096xf32> to vector<8x4096xf32>
        %eq3A_312 = vector.broadcast %scan3A_302 : vector<8x1xf32> to vector<8x4096xf32>
        %eq3A_313 = arith.cmpf oeq, %get3A_311, %eq3A_312 : vector<8x4096xf32>
        %jit3A_314 = arith.constant 8.192000e+03 : f32
        %broadcast_in_dim3A_315 = vector.broadcast %jit3A_314 : f32 to vector<8x4096xf32>
        %select_n3A_316 = arith.select %eq3A_313, %convert_element_type3A, %broadcast_in_dim3A_315 : vector<8x4096xi1>, vector<8x4096xf32>
        %reduce_min3A = arith.constant dense<0x7F800000> : vector<8xf32>
        %reduce_min3A_317 = vector.multi_reduction <minimumf>, %select_n3A_316, %reduce_min3A [1] : vector<8x4096xf32> to vector<8xf32>
        %broadcast_in_dim3A_318 = vector.shape_cast %reduce_min3A_317 : vector<8xf32> to vector<8x1xf32>
        %slice3A_319 = vector.extract_strided_slice %broadcast_in_dim3A_318 {offsets = [7, 0], sizes = [1, 1], strides = [1, 1]} : vector<8x1xf32> to vector<1x1xf32>
        %slice3A_320 = vector.extract_strided_slice %broadcast_in_dim3A_318 {offsets = [0, 0], sizes = [7, 1], strides = [1, 1]} : vector<8x1xf32> to vector<7x1xf32>
        %concatenate3A = tpu.concatenate %slice3A_319, %slice3A_320 in 0 : vector<1x1xf32>, vector<7x1xf32> -> vector<8x1xf32>
        %slice3A_321 = vector.extract_strided_slice %broadcast_in_dim3A_318 {offsets = [1, 0], sizes = [7, 1], strides = [1, 1]} : vector<8x1xf32> to vector<7x1xf32>
        %slice3A_322 = vector.extract_strided_slice %broadcast_in_dim3A_318 {offsets = [0, 0], sizes = [1, 1], strides = [1, 1]} : vector<8x1xf32> to vector<1x1xf32>
        %concatenate3A_323 = tpu.concatenate %slice3A_321, %slice3A_322 in 0 : vector<7x1xf32>, vector<1x1xf32> -> vector<8x1xf32>
        %min3A = arith.minimumf %broadcast_in_dim3A_318, %concatenate3A_323 : vector<8x1xf32>
        %min3A_324 = arith.minimumf %broadcast_in_dim3A_318, %concatenate3A : vector<8x1xf32>
        %select_n3A_325 = arith.select %eq3A_44, %min3A, %min3A_324 : vector<8x1xi1>, vector<8x1xf32>
        %get3A_326 = arith.constant 1 : index
        %get3A_327 = arith.constant 0 : index
        %get3A_328 = arith.constant 0 : index
        %get3A_329 = arith.constant 0 : index
        %get3A_330 = vector.load %arg0[%get3A_326, %get3A_327, %get3A_328, %get3A_329] : memref<2x3x8x4096xf32, #tpu.memory_space<vmem>>, vector<1x1x8x4096xf32>
        %get3A_331 = vector.shape_cast %get3A_330 : vector<1x1x8x4096xf32> to vector<8x4096xf32>
        %get3A_332 = arith.constant 1 : index
        %get3A_333 = arith.constant 1 : index
        %get3A_334 = arith.constant 0 : index
        %get3A_335 = arith.constant 0 : index
        %get3A_336 = vector.load %arg0[%get3A_332, %get3A_333, %get3A_334, %get3A_335] : memref<2x3x8x4096xf32, #tpu.memory_space<vmem>>, vector<1x1x8x4096xf32>
        %get3A_337 = vector.shape_cast %get3A_336 : vector<1x1x8x4096xf32> to vector<8x4096xf32>
        %get3A_338 = arith.constant 1 : index
        %get3A_339 = arith.constant 2 : index
        %get3A_340 = arith.constant 0 : index
        %get3A_341 = arith.constant 0 : index
        %get3A_342 = vector.load %arg0[%get3A_338, %get3A_339, %get3A_340, %get3A_341] : memref<2x3x8x4096xf32, #tpu.memory_space<vmem>>, vector<1x1x8x4096xf32>
        %get3A_343 = vector.shape_cast %get3A_342 : vector<1x1x8x4096xf32> to vector<8x4096xf32>
        %eq3A_344 = vector.broadcast %scan3A_303 : vector<8x1xf32> to vector<8x4096xf32>
        %eq3A_345 = arith.cmpf oeq, %convert_element_type3A, %eq3A_344 : vector<8x4096xf32>
        %jit3A_346 = arith.constant 0.000000e+00 : f32
        %broadcast_in_dim3A_347 = vector.broadcast %jit3A_346 : f32 to vector<8x4096xf32>
        %select_n3A_348 = arith.select %eq3A_345, %get3A_331, %broadcast_in_dim3A_347 : vector<8x4096xi1>, vector<8x4096xf32>
        %reduce_sum3A = arith.constant dense<0.000000e+00> : vector<8xf32>
        %reduce_sum3A_349 = vector.multi_reduction <add>, %select_n3A_348, %reduce_sum3A [1] : vector<8x4096xf32> to vector<8xf32>
        %broadcast_in_dim3A_350 = vector.shape_cast %reduce_sum3A_349 : vector<8xf32> to vector<8x1xf32>
        %slice3A_351 = vector.extract_strided_slice %broadcast_in_dim3A_350 {offsets = [7, 0], sizes = [1, 1], strides = [1, 1]} : vector<8x1xf32> to vector<1x1xf32>
        %slice3A_352 = vector.extract_strided_slice %broadcast_in_dim3A_350 {offsets = [0, 0], sizes = [7, 1], strides = [1, 1]} : vector<8x1xf32> to vector<7x1xf32>
        %concatenate3A_353 = tpu.concatenate %slice3A_351, %slice3A_352 in 0 : vector<1x1xf32>, vector<7x1xf32> -> vector<8x1xf32>
        %slice3A_354 = vector.extract_strided_slice %broadcast_in_dim3A_350 {offsets = [1, 0], sizes = [7, 1], strides = [1, 1]} : vector<8x1xf32> to vector<7x1xf32>
        %slice3A_355 = vector.extract_strided_slice %broadcast_in_dim3A_350 {offsets = [0, 0], sizes = [1, 1], strides = [1, 1]} : vector<8x1xf32> to vector<1x1xf32>
        %concatenate3A_356 = tpu.concatenate %slice3A_354, %slice3A_355 in 0 : vector<7x1xf32>, vector<1x1xf32> -> vector<8x1xf32>
        %add3A_357 = arith.addf %broadcast_in_dim3A_350, %concatenate3A_356 : vector<8x1xf32>
        %add3A_358 = arith.addf %broadcast_in_dim3A_350, %concatenate3A_353 : vector<8x1xf32>
        %select_n3A_359 = arith.select %eq3A_44, %add3A_357, %add3A_358 : vector<8x1xi1>, vector<8x1xf32>
        %jit3A_360 = arith.constant 0.000000e+00 : f32
        %broadcast_in_dim3A_361 = vector.broadcast %jit3A_360 : f32 to vector<8x4096xf32>
        %select_n3A_362 = arith.select %eq3A_345, %get3A_337, %broadcast_in_dim3A_361 : vector<8x4096xi1>, vector<8x4096xf32>
        %reduce_sum3A_363 = arith.constant dense<0.000000e+00> : vector<8xf32>
        %reduce_sum3A_364 = vector.multi_reduction <add>, %select_n3A_362, %reduce_sum3A_363 [1] : vector<8x4096xf32> to vector<8xf32>
        %broadcast_in_dim3A_365 = vector.shape_cast %reduce_sum3A_364 : vector<8xf32> to vector<8x1xf32>
        %slice3A_366 = vector.extract_strided_slice %broadcast_in_dim3A_365 {offsets = [7, 0], sizes = [1, 1], strides = [1, 1]} : vector<8x1xf32> to vector<1x1xf32>
        %slice3A_367 = vector.extract_strided_slice %broadcast_in_dim3A_365 {offsets = [0, 0], sizes = [7, 1], strides = [1, 1]} : vector<8x1xf32> to vector<7x1xf32>
        %concatenate3A_368 = tpu.concatenate %slice3A_366, %slice3A_367 in 0 : vector<1x1xf32>, vector<7x1xf32> -> vector<8x1xf32>
        %slice3A_369 = vector.extract_strided_slice %broadcast_in_dim3A_365 {offsets = [1, 0], sizes = [7, 1], strides = [1, 1]} : vector<8x1xf32> to vector<7x1xf32>
        %slice3A_370 = vector.extract_strided_slice %broadcast_in_dim3A_365 {offsets = [0, 0], sizes = [1, 1], strides = [1, 1]} : vector<8x1xf32> to vector<1x1xf32>
        %concatenate3A_371 = tpu.concatenate %slice3A_369, %slice3A_370 in 0 : vector<7x1xf32>, vector<1x1xf32> -> vector<8x1xf32>
        %add3A_372 = arith.addf %broadcast_in_dim3A_365, %concatenate3A_371 : vector<8x1xf32>
        %add3A_373 = arith.addf %broadcast_in_dim3A_365, %concatenate3A_368 : vector<8x1xf32>
        %select_n3A_374 = arith.select %eq3A_44, %add3A_372, %add3A_373 : vector<8x1xi1>, vector<8x1xf32>
        %jit3A_375 = arith.constant 0.000000e+00 : f32
        %broadcast_in_dim3A_376 = vector.broadcast %jit3A_375 : f32 to vector<8x4096xf32>
        %select_n3A_377 = arith.select %eq3A_345, %get3A_343, %broadcast_in_dim3A_376 : vector<8x4096xi1>, vector<8x4096xf32>
        %reduce_sum3A_378 = arith.constant dense<0.000000e+00> : vector<8xf32>
        %reduce_sum3A_379 = vector.multi_reduction <add>, %select_n3A_377, %reduce_sum3A_378 [1] : vector<8x4096xf32> to vector<8xf32>
        %broadcast_in_dim3A_380 = vector.shape_cast %reduce_sum3A_379 : vector<8xf32> to vector<8x1xf32>
        %slice3A_381 = vector.extract_strided_slice %broadcast_in_dim3A_380 {offsets = [7, 0], sizes = [1, 1], strides = [1, 1]} : vector<8x1xf32> to vector<1x1xf32>
        %slice3A_382 = vector.extract_strided_slice %broadcast_in_dim3A_380 {offsets = [0, 0], sizes = [7, 1], strides = [1, 1]} : vector<8x1xf32> to vector<7x1xf32>
        %concatenate3A_383 = tpu.concatenate %slice3A_381, %slice3A_382 in 0 : vector<1x1xf32>, vector<7x1xf32> -> vector<8x1xf32>
        %slice3A_384 = vector.extract_strided_slice %broadcast_in_dim3A_380 {offsets = [1, 0], sizes = [7, 1], strides = [1, 1]} : vector<8x1xf32> to vector<7x1xf32>
        %slice3A_385 = vector.extract_strided_slice %broadcast_in_dim3A_380 {offsets = [0, 0], sizes = [1, 1], strides = [1, 1]} : vector<8x1xf32> to vector<1x1xf32>
        %concatenate3A_386 = tpu.concatenate %slice3A_384, %slice3A_385 in 0 : vector<7x1xf32>, vector<1x1xf32> -> vector<8x1xf32>
        %add3A_387 = arith.addf %broadcast_in_dim3A_380, %concatenate3A_386 : vector<8x1xf32>
        %add3A_388 = arith.addf %broadcast_in_dim3A_380, %concatenate3A_383 : vector<8x1xf32>
        %select_n3A_389 = arith.select %eq3A_44, %add3A_387, %add3A_388 : vector<8x1xi1>, vector<8x1xf32>
        %sub3A = vector.broadcast %select_n3A_359 : vector<8x1xf32> to vector<8x4096xf32>
        %sub3A_390 = arith.subf %get3A_331, %sub3A : vector<8x4096xf32>
        %integer_pow3A = arith.mulf %sub3A_390, %sub3A_390 : vector<8x4096xf32>
        %sub3A_391 = vector.broadcast %select_n3A_374 : vector<8x1xf32> to vector<8x4096xf32>
        %sub3A_392 = arith.subf %get3A_337, %sub3A_391 : vector<8x4096xf32>
        %integer_pow3A_393 = arith.mulf %sub3A_392, %sub3A_392 : vector<8x4096xf32>
        %add3A_394 = arith.addf %integer_pow3A, %integer_pow3A_393 : vector<8x4096xf32>
        %sub3A_395 = vector.broadcast %select_n3A_389 : vector<8x1xf32> to vector<8x4096xf32>
        %sub3A_396 = arith.subf %get3A_343, %sub3A_395 : vector<8x4096xf32>
        %integer_pow3A_397 = arith.mulf %sub3A_396, %sub3A_396 : vector<8x4096xf32>
        %add3A_398 = arith.addf %add3A_394, %integer_pow3A_397 : vector<8x4096xf32>
        %get3A_399 = arith.constant 1 : index
        %get3A_400 = arith.constant 0 : index
        %get3A_401 = arith.constant 0 : index
        %get3A_402 = vector.load %arg5[%get3A_399, %get3A_400, %get3A_401] : memref<2x8x4096xf32, #tpu.memory_space<vmem>>, vector<1x8x4096xf32>
        %get3A_403 = vector.shape_cast %get3A_402 : vector<1x8x4096xf32> to vector<8x4096xf32>
        %min3A_404 = arith.minimumf %get3A_403, %add3A_398 : vector<8x4096xf32>
        %swap3A_405 = arith.constant 1 : index
        %swap3A_406 = arith.constant 0 : index
        %swap3A_407 = arith.constant 0 : index
        %swap3A_408 = vector.load %arg5[%swap3A_405, %swap3A_406, %swap3A_407] : memref<2x8x4096xf32, #tpu.memory_space<vmem>>, vector<1x8x4096xf32>
        %swap3A_409 = vector.shape_cast %swap3A_408 : vector<1x8x4096xf32> to vector<8x4096xf32>
        %swap3A_410 = vector.shape_cast %min3A_404 : vector<8x4096xf32> to vector<1x8x4096xf32>
        tpu.vector_store %arg5[%swap3A_405, %swap3A_406, %swap3A_407], %swap3A_410 {strides = array<i32>} : memref<2x8x4096xf32, #tpu.memory_space<vmem>>, vector<1x8x4096xf32>,
        %reduce_max3A = arith.constant dense<0xFF800000> : vector<8xf32>
        %reduce_max3A_411 = vector.multi_reduction <maximumf>, %min3A_404, %reduce_max3A [1] : vector<8x4096xf32> to vector<8xf32>
        %broadcast_in_dim3A_412 = vector.shape_cast %reduce_max3A_411 : vector<8xf32> to vector<8x1xf32>
        %slice3A_413 = vector.extract_strided_slice %broadcast_in_dim3A_412 {offsets = [7, 0], sizes = [1, 1], strides = [1, 1]} : vector<8x1xf32> to vector<1x1xf32>
        %slice3A_414 = vector.extract_strided_slice %broadcast_in_dim3A_412 {offsets = [0, 0], sizes = [7, 1], strides = [1, 1]} : vector<8x1xf32> to vector<7x1xf32>
        %concatenate3A_415 = tpu.concatenate %slice3A_413, %slice3A_414 in 0 : vector<1x1xf32>, vector<7x1xf32> -> vector<8x1xf32>
        %slice3A_416 = vector.extract_strided_slice %broadcast_in_dim3A_412 {offsets = [1, 0], sizes = [7, 1], strides = [1, 1]} : vector<8x1xf32> to vector<7x1xf32>
        %slice3A_417 = vector.extract_strided_slice %broadcast_in_dim3A_412 {offsets = [0, 0], sizes = [1, 1], strides = [1, 1]} : vector<8x1xf32> to vector<1x1xf32>
        %concatenate3A_418 = tpu.concatenate %slice3A_416, %slice3A_417 in 0 : vector<7x1xf32>, vector<1x1xf32> -> vector<8x1xf32>
        %max3A = arith.maximumf %broadcast_in_dim3A_412, %concatenate3A_418 : vector<8x1xf32>
        %max3A_419 = arith.maximumf %broadcast_in_dim3A_412, %concatenate3A_415 : vector<8x1xf32>
        %select_n3A_420 = arith.select %eq3A_44, %max3A, %max3A_419 : vector<8x1xi1>, vector<8x1xf32>
        %eq3A_421 = vector.broadcast %scan3A_301 : i32 to vector<8x128xi32>
        %eq3A_422 = arith.cmpi eq, %iota3A_18, %eq3A_421 : vector<8x128xi32>
        %select_n3A_423 = arith.select %eq3A_44, %scan3A_303, %select_n3A_359 : vector<8x1xi1>, vector<8x1xf32>
        %broadcast_in_dim3A_424 = vector.shape_cast %select_n3A_423 : vector<8x1xf32> to vector<8x1xf32>
        %broadcast_in_dim3A_425 = vector.broadcast %broadcast_in_dim3A_424 : vector<8x1xf32> to vector<8x128xf32>
        %select_n3A_426 = arith.select %eq3A_422, %broadcast_in_dim3A_425, %scan3A_306 : vector<8x128xi1>, vector<8x128xf32>
        %select_n3A_427 = arith.select %eq3A_44, %select_n3A_374, %select_n3A_389 : vector<8x1xi1>, vector<8x1xf32>
        %broadcast_in_dim3A_428 = vector.shape_cast %select_n3A_427 : vector<8x1xf32> to vector<8x1xf32>
        %broadcast_in_dim3A_429 = vector.broadcast %broadcast_in_dim3A_428 : vector<8x1xf32> to vector<8x128xf32>
        %select_n3A_430 = arith.select %eq3A_422, %broadcast_in_dim3A_429, %scan3A_307 : vector<8x128xi1>, vector<8x128xf32>
        %get3A_431 = arith.constant 0 : index
        %get3A_432 = arith.constant 0 : index
        %get3A_433 = arith.constant 0 : index
        %get3A_434 = arith.constant 0 : index
        %get3A_435 = vector.load %arg0[%get3A_431, %get3A_432, %get3A_433, %get3A_434] : memref<2x3x8x4096xf32, #tpu.memory_space<vmem>>, vector<1x1x8x4096xf32>
        %get3A_436 = vector.shape_cast %get3A_435 : vector<1x1x8x4096xf32> to vector<8x4096xf32>
        %get3A_437 = arith.constant 0 : index
        %get3A_438 = arith.constant 1 : index
        %get3A_439 = arith.constant 0 : index
        %get3A_440 = arith.constant 0 : index
        %get3A_441 = vector.load %arg0[%get3A_437, %get3A_438, %get3A_439, %get3A_440] : memref<2x3x8x4096xf32, #tpu.memory_space<vmem>>, vector<1x1x8x4096xf32>
        %get3A_442 = vector.shape_cast %get3A_441 : vector<1x1x8x4096xf32> to vector<8x4096xf32>
        %get3A_443 = arith.constant 0 : index
        %get3A_444 = arith.constant 2 : index
        %get3A_445 = arith.constant 0 : index
        %get3A_446 = arith.constant 0 : index
        %get3A_447 = vector.load %arg0[%get3A_443, %get3A_444, %get3A_445, %get3A_446] : memref<2x3x8x4096xf32, #tpu.memory_space<vmem>>, vector<1x1x8x4096xf32>
        %get3A_448 = vector.shape_cast %get3A_447 : vector<1x1x8x4096xf32> to vector<8x4096xf32>
        %eq3A_449 = vector.broadcast %select_n3A_325 : vector<8x1xf32> to vector<8x4096xf32>
        %eq3A_450 = arith.cmpf oeq, %convert_element_type3A, %eq3A_449 : vector<8x4096xf32>
        %jit3A_451 = arith.constant 0.000000e+00 : f32
        %broadcast_in_dim3A_452 = vector.broadcast %jit3A_451 : f32 to vector<8x4096xf32>
        %select_n3A_453 = arith.select %eq3A_450, %get3A_436, %broadcast_in_dim3A_452 : vector<8x4096xi1>, vector<8x4096xf32>
        %reduce_sum3A_454 = arith.constant dense<0.000000e+00> : vector<8xf32>
        %reduce_sum3A_455 = vector.multi_reduction <add>, %select_n3A_453, %reduce_sum3A_454 [1] : vector<8x4096xf32> to vector<8xf32>
        %broadcast_in_dim3A_456 = vector.shape_cast %reduce_sum3A_455 : vector<8xf32> to vector<8x1xf32>
        %slice3A_457 = vector.extract_strided_slice %broadcast_in_dim3A_456 {offsets = [7, 0], sizes = [1, 1], strides = [1, 1]} : vector<8x1xf32> to vector<1x1xf32>
        %slice3A_458 = vector.extract_strided_slice %broadcast_in_dim3A_456 {offsets = [0, 0], sizes = [7, 1], strides = [1, 1]} : vector<8x1xf32> to vector<7x1xf32>
        %concatenate3A_459 = tpu.concatenate %slice3A_457, %slice3A_458 in 0 : vector<1x1xf32>, vector<7x1xf32> -> vector<8x1xf32>
        %slice3A_460 = vector.extract_strided_slice %broadcast_in_dim3A_456 {offsets = [1, 0], sizes = [7, 1], strides = [1, 1]} : vector<8x1xf32> to vector<7x1xf32>
        %slice3A_461 = vector.extract_strided_slice %broadcast_in_dim3A_456 {offsets = [0, 0], sizes = [1, 1], strides = [1, 1]} : vector<8x1xf32> to vector<1x1xf32>
        %concatenate3A_462 = tpu.concatenate %slice3A_460, %slice3A_461 in 0 : vector<7x1xf32>, vector<1x1xf32> -> vector<8x1xf32>
        %add3A_463 = arith.addf %broadcast_in_dim3A_456, %concatenate3A_462 : vector<8x1xf32>
        %add3A_464 = arith.addf %broadcast_in_dim3A_456, %concatenate3A_459 : vector<8x1xf32>
        %select_n3A_465 = arith.select %eq3A_44, %add3A_463, %add3A_464 : vector<8x1xi1>, vector<8x1xf32>
        %jit3A_466 = arith.constant 0.000000e+00 : f32
        %broadcast_in_dim3A_467 = vector.broadcast %jit3A_466 : f32 to vector<8x4096xf32>
        %select_n3A_468 = arith.select %eq3A_450, %get3A_442, %broadcast_in_dim3A_467 : vector<8x4096xi1>, vector<8x4096xf32>
        %reduce_sum3A_469 = arith.constant dense<0.000000e+00> : vector<8xf32>
        %reduce_sum3A_470 = vector.multi_reduction <add>, %select_n3A_468, %reduce_sum3A_469 [1] : vector<8x4096xf32> to vector<8xf32>
        %broadcast_in_dim3A_471 = vector.shape_cast %reduce_sum3A_470 : vector<8xf32> to vector<8x1xf32>
        %slice3A_472 = vector.extract_strided_slice %broadcast_in_dim3A_471 {offsets = [7, 0], sizes = [1, 1], strides = [1, 1]} : vector<8x1xf32> to vector<1x1xf32>
        %slice3A_473 = vector.extract_strided_slice %broadcast_in_dim3A_471 {offsets = [0, 0], sizes = [7, 1], strides = [1, 1]} : vector<8x1xf32> to vector<7x1xf32>
        %concatenate3A_474 = tpu.concatenate %slice3A_472, %slice3A_473 in 0 : vector<1x1xf32>, vector<7x1xf32> -> vector<8x1xf32>
        %slice3A_475 = vector.extract_strided_slice %broadcast_in_dim3A_471 {offsets = [1, 0], sizes = [7, 1], strides = [1, 1]} : vector<8x1xf32> to vector<7x1xf32>
        %slice3A_476 = vector.extract_strided_slice %broadcast_in_dim3A_471 {offsets = [0, 0], sizes = [1, 1], strides = [1, 1]} : vector<8x1xf32> to vector<1x1xf32>
        %concatenate3A_477 = tpu.concatenate %slice3A_475, %slice3A_476 in 0 : vector<7x1xf32>, vector<1x1xf32> -> vector<8x1xf32>
        %add3A_478 = arith.addf %broadcast_in_dim3A_471, %concatenate3A_477 : vector<8x1xf32>
        %add3A_479 = arith.addf %broadcast_in_dim3A_471, %concatenate3A_474 : vector<8x1xf32>
        %select_n3A_480 = arith.select %eq3A_44, %add3A_478, %add3A_479 : vector<8x1xi1>, vector<8x1xf32>
        %jit3A_481 = arith.constant 0.000000e+00 : f32
        %broadcast_in_dim3A_482 = vector.broadcast %jit3A_481 : f32 to vector<8x4096xf32>
        %select_n3A_483 = arith.select %eq3A_450, %get3A_448, %broadcast_in_dim3A_482 : vector<8x4096xi1>, vector<8x4096xf32>
        %reduce_sum3A_484 = arith.constant dense<0.000000e+00> : vector<8xf32>
        %reduce_sum3A_485 = vector.multi_reduction <add>, %select_n3A_483, %reduce_sum3A_484 [1] : vector<8x4096xf32> to vector<8xf32>
        %broadcast_in_dim3A_486 = vector.shape_cast %reduce_sum3A_485 : vector<8xf32> to vector<8x1xf32>
        %slice3A_487 = vector.extract_strided_slice %broadcast_in_dim3A_486 {offsets = [7, 0], sizes = [1, 1], strides = [1, 1]} : vector<8x1xf32> to vector<1x1xf32>
        %slice3A_488 = vector.extract_strided_slice %broadcast_in_dim3A_486 {offsets = [0, 0], sizes = [7, 1], strides = [1, 1]} : vector<8x1xf32> to vector<7x1xf32>
        %concatenate3A_489 = tpu.concatenate %slice3A_487, %slice3A_488 in 0 : vector<1x1xf32>, vector<7x1xf32> -> vector<8x1xf32>
        %slice3A_490 = vector.extract_strided_slice %broadcast_in_dim3A_486 {offsets = [1, 0], sizes = [7, 1], strides = [1, 1]} : vector<8x1xf32> to vector<7x1xf32>
        %slice3A_491 = vector.extract_strided_slice %broadcast_in_dim3A_486 {offsets = [0, 0], sizes = [1, 1], strides = [1, 1]} : vector<8x1xf32> to vector<1x1xf32>
        %concatenate3A_492 = tpu.concatenate %slice3A_490, %slice3A_491 in 0 : vector<7x1xf32>, vector<1x1xf32> -> vector<8x1xf32>
        %add3A_493 = arith.addf %broadcast_in_dim3A_486, %concatenate3A_492 : vector<8x1xf32>
        %add3A_494 = arith.addf %broadcast_in_dim3A_486, %concatenate3A_489 : vector<8x1xf32>
        %select_n3A_495 = arith.select %eq3A_44, %add3A_493, %add3A_494 : vector<8x1xi1>, vector<8x1xf32>
        %sub3A_496 = vector.broadcast %select_n3A_465 : vector<8x1xf32> to vector<8x4096xf32>
        %sub3A_497 = arith.subf %get3A_436, %sub3A_496 : vector<8x4096xf32>
        %integer_pow3A_498 = arith.mulf %sub3A_497, %sub3A_497 : vector<8x4096xf32>
        %sub3A_499 = vector.broadcast %select_n3A_480 : vector<8x1xf32> to vector<8x4096xf32>
        %sub3A_500 = arith.subf %get3A_442, %sub3A_499 : vector<8x4096xf32>
        %integer_pow3A_501 = arith.mulf %sub3A_500, %sub3A_500 : vector<8x4096xf32>
        %add3A_502 = arith.addf %integer_pow3A_498, %integer_pow3A_501 : vector<8x4096xf32>
        %sub3A_503 = vector.broadcast %select_n3A_495 : vector<8x1xf32> to vector<8x4096xf32>
        %sub3A_504 = arith.subf %get3A_448, %sub3A_503 : vector<8x4096xf32>
        %integer_pow3A_505 = arith.mulf %sub3A_504, %sub3A_504 : vector<8x4096xf32>
        %add3A_506 = arith.addf %add3A_502, %integer_pow3A_505 : vector<8x4096xf32>
        %get3A_507 = arith.constant 0 : index
        %get3A_508 = arith.constant 0 : index
        %get3A_509 = arith.constant 0 : index
        %get3A_510 = vector.load %arg5[%get3A_507, %get3A_508, %get3A_509] : memref<2x8x4096xf32, #tpu.memory_space<vmem>>, vector<1x8x4096xf32>
        %get3A_511 = vector.shape_cast %get3A_510 : vector<1x8x4096xf32> to vector<8x4096xf32>
        %min3A_512 = arith.minimumf %get3A_511, %add3A_506 : vector<8x4096xf32>
        %swap3A_513 = arith.constant 0 : index
        %swap3A_514 = arith.constant 0 : index
        %swap3A_515 = arith.constant 0 : index
        %swap3A_516 = vector.load %arg5[%swap3A_513, %swap3A_514, %swap3A_515] : memref<2x8x4096xf32, #tpu.memory_space<vmem>>, vector<1x8x4096xf32>
        %swap3A_517 = vector.shape_cast %swap3A_516 : vector<1x8x4096xf32> to vector<8x4096xf32>
        %swap3A_518 = vector.shape_cast %min3A_512 : vector<8x4096xf32> to vector<1x8x4096xf32>
        tpu.vector_store %arg5[%swap3A_513, %swap3A_514, %swap3A_515], %swap3A_518 {strides = array<i32>} : memref<2x8x4096xf32, #tpu.memory_space<vmem>>, vector<1x8x4096xf32>,
        %reduce_max3A_519 = arith.constant dense<0xFF800000> : vector<8xf32>
        %reduce_max3A_520 = vector.multi_reduction <maximumf>, %min3A_512, %reduce_max3A_519 [1] : vector<8x4096xf32> to vector<8xf32>
        %broadcast_in_dim3A_521 = vector.shape_cast %reduce_max3A_520 : vector<8xf32> to vector<8x1xf32>
        %slice3A_522 = vector.extract_strided_slice %broadcast_in_dim3A_521 {offsets = [7, 0], sizes = [1, 1], strides = [1, 1]} : vector<8x1xf32> to vector<1x1xf32>
        %slice3A_523 = vector.extract_strided_slice %broadcast_in_dim3A_521 {offsets = [0, 0], sizes = [7, 1], strides = [1, 1]} : vector<8x1xf32> to vector<7x1xf32>
        %concatenate3A_524 = tpu.concatenate %slice3A_522, %slice3A_523 in 0 : vector<1x1xf32>, vector<7x1xf32> -> vector<8x1xf32>
        %slice3A_525 = vector.extract_strided_slice %broadcast_in_dim3A_521 {offsets = [1, 0], sizes = [7, 1], strides = [1, 1]} : vector<8x1xf32> to vector<7x1xf32>
        %slice3A_526 = vector.extract_strided_slice %broadcast_in_dim3A_521 {offsets = [0, 0], sizes = [1, 1], strides = [1, 1]} : vector<8x1xf32> to vector<1x1xf32>
        %concatenate3A_527 = tpu.concatenate %slice3A_525, %slice3A_526 in 0 : vector<7x1xf32>, vector<1x1xf32> -> vector<8x1xf32>
        %max3A_528 = arith.maximumf %broadcast_in_dim3A_521, %concatenate3A_527 : vector<8x1xf32>
        %max3A_529 = arith.maximumf %broadcast_in_dim3A_521, %concatenate3A_524 : vector<8x1xf32>
        %select_n3A_530 = arith.select %eq3A_44, %max3A_528, %max3A_529 : vector<8x1xi1>, vector<8x1xf32>
        %eq3A_531 = vector.broadcast %scan3A_301 : i32 to vector<8x128xi32>
        %eq3A_532 = arith.cmpi eq, %iota3A_18, %eq3A_531 : vector<8x128xi32>
        %select_n3A_533 = arith.select %eq3A_44, %select_n3A_325, %select_n3A_465 : vector<8x1xi1>, vector<8x1xf32>
        %broadcast_in_dim3A_534 = vector.shape_cast %select_n3A_533 : vector<8x1xf32> to vector<8x1xf32>
        %broadcast_in_dim3A_535 = vector.broadcast %broadcast_in_dim3A_534 : vector<8x1xf32> to vector<8x128xf32>
        %select_n3A_536 = arith.select %eq3A_532, %broadcast_in_dim3A_535, %scan3A_304 : vector<8x128xi1>, vector<8x128xf32>
        %select_n3A_537 = arith.select %eq3A_44, %select_n3A_480, %select_n3A_495 : vector<8x1xi1>, vector<8x1xf32>
        %broadcast_in_dim3A_538 = vector.shape_cast %select_n3A_537 : vector<8x1xf32> to vector<8x1xf32>
        %broadcast_in_dim3A_539 = vector.broadcast %broadcast_in_dim3A_538 : vector<8x1xf32> to vector<8x128xf32>
        %select_n3A_540 = arith.select %eq3A_532, %broadcast_in_dim3A_539, %scan3A_305 : vector<8x128xi1>, vector<8x128xf32>
        %get3A_541 = arith.constant 1 : index
        %get3A_542 = arith.constant 0 : index
        %get3A_543 = arith.constant 0 : index
        %get3A_544 = vector.load %arg5[%get3A_541, %get3A_542, %get3A_543] : memref<2x8x4096xf32, #tpu.memory_space<vmem>>, vector<1x8x4096xf32>
        %get3A_545 = vector.shape_cast %get3A_544 : vector<1x8x4096xf32> to vector<8x4096xf32>
        %eq3A_546 = vector.broadcast %select_n3A_420 : vector<8x1xf32> to vector<8x4096xf32>
        %eq3A_547 = arith.cmpf oeq, %get3A_545, %eq3A_546 : vector<8x4096xf32>
        %jit3A_548 = arith.constant 8.192000e+03 : f32
        %broadcast_in_dim3A_549 = vector.broadcast %jit3A_548 : f32 to vector<8x4096xf32>
        %select_n3A_550 = arith.select %eq3A_547, %convert_element_type3A, %broadcast_in_dim3A_549 : vector<8x4096xi1>, vector<8x4096xf32>
        %reduce_min3A_551 = arith.constant dense<0x7F800000> : vector<8xf32>
        %reduce_min3A_552 = vector.multi_reduction <minimumf>, %select_n3A_550, %reduce_min3A_551 [1] : vector<8x4096xf32> to vector<8xf32>
        %broadcast_in_dim3A_553 = vector.shape_cast %reduce_min3A_552 : vector<8xf32> to vector<8x1xf32>
        %slice3A_554 = vector.extract_strided_slice %broadcast_in_dim3A_553 {offsets = [7, 0], sizes = [1, 1], strides = [1, 1]} : vector<8x1xf32> to vector<1x1xf32>
        %slice3A_555 = vector.extract_strided_slice %broadcast_in_dim3A_553 {offsets = [0, 0], sizes = [7, 1], strides = [1, 1]} : vector<8x1xf32> to vector<7x1xf32>
        %concatenate3A_556 = tpu.concatenate %slice3A_554, %slice3A_555 in 0 : vector<1x1xf32>, vector<7x1xf32> -> vector<8x1xf32>
        %slice3A_557 = vector.extract_strided_slice %broadcast_in_dim3A_553 {offsets = [1, 0], sizes = [7, 1], strides = [1, 1]} : vector<8x1xf32> to vector<7x1xf32>
        %slice3A_558 = vector.extract_strided_slice %broadcast_in_dim3A_553 {offsets = [0, 0], sizes = [1, 1], strides = [1, 1]} : vector<8x1xf32> to vector<1x1xf32>
        %concatenate3A_559 = tpu.concatenate %slice3A_557, %slice3A_558 in 0 : vector<7x1xf32>, vector<1x1xf32> -> vector<8x1xf32>
        %min3A_560 = arith.minimumf %broadcast_in_dim3A_553, %concatenate3A_559 : vector<8x1xf32>
        %min3A_561 = arith.minimumf %broadcast_in_dim3A_553, %concatenate3A_556 : vector<8x1xf32>
        %select_n3A_562 = arith.select %eq3A_44, %min3A_560, %min3A_561 : vector<8x1xi1>, vector<8x1xf32>
        scf.yield %select_n3A_530, %select_n3A_562, %select_n3A_536, %select_n3A_540, %select_n3A_426, %select_n3A_430 : vector<8x1xf32>, vector<8x1xf32>, vector<8x128xf32>, vector<8x128xf32>, vector<8x128xf32>, vector<8x128xf32>
      }
      %scan3A_68 = arith.constant 128 : i32
      %mul3A_69 = arith.constant 128 : i32
      %mul3A_70 = arith.muli %scan3A_58, %mul3A_69 : i32
      %multiple_of3A = tpu.assume_multiple %mul3A_70, 128 : i32
      %slice3A = vector.extract_strided_slice %scan3A_67#2 {offsets = [0, 0], sizes = [1, 128], strides = [1, 1]} : vector<8x128xf32> to vector<1x128xf32>
      %squeeze3A = vector.shape_cast %slice3A : vector<1x128xf32> to vector<128xf32>
      %convert_element_type3A_71 = arith.fptosi %squeeze3A : vector<128xf32> to vector<128xi32>
      %swap3A_72 = arith.constant 0 : index
      %swap3A_73 = arith.index_cast %multiple_of3A : i32 to index
      %swap3A_74 = vector.load %arg1[%swap3A_72, %swap3A_73] : memref<8x2048xi32, #tpu.memory_space<vmem>>, vector<1x128xi32>
      %swap3A_75 = vector.shape_cast %swap3A_74 : vector<1x128xi32> to vector<128xi32>
      %swap3A_76 = vector.shape_cast %convert_element_type3A_71 : vector<128xi32> to vector<1x128xi32>
      tpu.vector_store %arg1[%swap3A_72, %swap3A_73], %swap3A_76 {strides = array<i32>} : memref<8x2048xi32, #tpu.memory_space<vmem>>, vector<1x128xi32>,
      %slice3A_77 = vector.extract_strided_slice %scan3A_67#2 {offsets = [1, 0], sizes = [1, 128], strides = [1, 1]} : vector<8x128xf32> to vector<1x128xf32>
      %squeeze3A_78 = vector.shape_cast %slice3A_77 : vector<1x128xf32> to vector<128xf32>
      %swap3A_79 = arith.constant 0 : index
      %swap3A_80 = arith.index_cast %multiple_of3A : i32 to index
      %swap3A_81 = vector.load %arg2[%swap3A_79, %swap3A_80] : memref<8x2048xf32, #tpu.memory_space<vmem>>, vector<1x128xf32>
      %swap3A_82 = vector.shape_cast %swap3A_81 : vector<1x128xf32> to vector<128xf32>
      %swap3A_83 = vector.shape_cast %squeeze3A_78 : vector<128xf32> to vector<1x128xf32>
      tpu.vector_store %arg2[%swap3A_79, %swap3A_80], %swap3A_83 {strides = array<i32>} : memref<8x2048xf32, #tpu.memory_space<vmem>>, vector<1x128xf32>,
      %slice3A_84 = vector.extract_strided_slice %scan3A_67#3 {offsets = [0, 0], sizes = [1, 128], strides = [1, 1]} : vector<8x128xf32> to vector<1x128xf32>
      %squeeze3A_85 = vector.shape_cast %slice3A_84 : vector<1x128xf32> to vector<128xf32>
      %swap3A_86 = arith.constant 0 : index
      %swap3A_87 = arith.index_cast %multiple_of3A : i32 to index
      %swap3A_88 = vector.load %arg3[%swap3A_86, %swap3A_87] : memref<8x2048xf32, #tpu.memory_space<vmem>>, vector<1x128xf32>
      %swap3A_89 = vector.shape_cast %swap3A_88 : vector<1x128xf32> to vector<128xf32>
      %swap3A_90 = vector.shape_cast %squeeze3A_85 : vector<128xf32> to vector<1x128xf32>
      tpu.vector_store %arg3[%swap3A_86, %swap3A_87], %swap3A_90 {strides = array<i32>} : memref<8x2048xf32, #tpu.memory_space<vmem>>, vector<1x128xf32>,
      %slice3A_91 = vector.extract_strided_slice %scan3A_67#3 {offsets = [1, 0], sizes = [1, 128], strides = [1, 1]} : vector<8x128xf32> to vector<1x128xf32>
      %squeeze3A_92 = vector.shape_cast %slice3A_91 : vector<1x128xf32> to vector<128xf32>
      %swap3A_93 = arith.constant 0 : index
      %swap3A_94 = arith.index_cast %multiple_of3A : i32 to index
      %swap3A_95 = vector.load %arg4[%swap3A_93, %swap3A_94] : memref<8x2048xf32, #tpu.memory_space<vmem>>, vector<1x128xf32>
      %swap3A_96 = vector.shape_cast %swap3A_95 : vector<1x128xf32> to vector<128xf32>
      %swap3A_97 = vector.shape_cast %squeeze3A_92 : vector<128xf32> to vector<1x128xf32>
      tpu.vector_store %arg4[%swap3A_93, %swap3A_94], %swap3A_97 {strides = array<i32>} : memref<8x2048xf32, #tpu.memory_space<vmem>>, vector<1x128xf32>,
      %slice3A_98 = vector.extract_strided_slice %scan3A_67#2 {offsets = [2, 0], sizes = [1, 128], strides = [1, 1]} : vector<8x128xf32> to vector<1x128xf32>
      %squeeze3A_99 = vector.shape_cast %slice3A_98 : vector<1x128xf32> to vector<128xf32>
      %convert_element_type3A_100 = arith.fptosi %squeeze3A_99 : vector<128xf32> to vector<128xi32>
      %swap3A_101 = arith.constant 1 : index
      %swap3A_102 = arith.index_cast %multiple_of3A : i32 to index
      %swap3A_103 = vector.load %arg1[%swap3A_101, %swap3A_102] : memref<8x2048xi32, #tpu.memory_space<vmem>>, vector<1x128xi32>
      %swap3A_104 = vector.shape_cast %swap3A_103 : vector<1x128xi32> to vector<128xi32>
      %swap3A_105 = vector.shape_cast %convert_element_type3A_100 : vector<128xi32> to vector<1x128xi32>
      tpu.vector_store %arg1[%swap3A_101, %swap3A_102], %swap3A_105 {strides = array<i32>} : memref<8x2048xi32, #tpu.memory_space<vmem>>, vector<1x128xi32>,
      %slice3A_106 = vector.extract_strided_slice %scan3A_67#2 {offsets = [3, 0], sizes = [1, 128], strides = [1, 1]} : vector<8x128xf32> to vector<1x128xf32>
      %squeeze3A_107 = vector.shape_cast %slice3A_106 : vector<1x128xf32> to vector<128xf32>
      %swap3A_108 = arith.constant 1 : index
      %swap3A_109 = arith.index_cast %multiple_of3A : i32 to index
      %swap3A_110 = vector.load %arg2[%swap3A_108, %swap3A_109] : memref<8x2048xf32, #tpu.memory_space<vmem>>, vector<1x128xf32>
      %swap3A_111 = vector.shape_cast %swap3A_110 : vector<1x128xf32> to vector<128xf32>
      %swap3A_112 = vector.shape_cast %squeeze3A_107 : vector<128xf32> to vector<1x128xf32>
      tpu.vector_store %arg2[%swap3A_108, %swap3A_109], %swap3A_112 {strides = array<i32>} : memref<8x2048xf32, #tpu.memory_space<vmem>>, vector<1x128xf32>,
      %slice3A_113 = vector.extract_strided_slice %scan3A_67#3 {offsets = [2, 0], sizes = [1, 128], strides = [1, 1]} : vector<8x128xf32> to vector<1x128xf32>
      %squeeze3A_114 = vector.shape_cast %slice3A_113 : vector<1x128xf32> to vector<128xf32>
      %swap3A_115 = arith.constant 1 : index
      %swap3A_116 = arith.index_cast %multiple_of3A : i32 to index
      %swap3A_117 = vector.load %arg3[%swap3A_115, %swap3A_116] : memref<8x2048xf32, #tpu.memory_space<vmem>>, vector<1x128xf32>
      %swap3A_118 = vector.shape_cast %swap3A_117 : vector<1x128xf32> to vector<128xf32>
      %swap3A_119 = vector.shape_cast %squeeze3A_114 : vector<128xf32> to vector<1x128xf32>
      tpu.vector_store %arg3[%swap3A_115, %swap3A_116], %swap3A_119 {strides = array<i32>} : memref<8x2048xf32, #tpu.memory_space<vmem>>, vector<1x128xf32>,
      %slice3A_120 = vector.extract_strided_slice %scan3A_67#3 {offsets = [3, 0], sizes = [1, 128], strides = [1, 1]} : vector<8x128xf32> to vector<1x128xf32>
      %squeeze3A_121 = vector.shape_cast %slice3A_120 : vector<1x128xf32> to vector<128xf32>
      %swap3A_122 = arith.constant 1 : index
      %swap3A_123 = arith.index_cast %multiple_of3A : i32 to index
      %swap3A_124 = vector.load %arg4[%swap3A_122, %swap3A_123] : memref<8x2048xf32, #tpu.memory_space<vmem>>, vector<1x128xf32>
      %swap3A_125 = vector.shape_cast %swap3A_124 : vector<1x128xf32> to vector<128xf32>
      %swap3A_126 = vector.shape_cast %squeeze3A_121 : vector<128xf32> to vector<1x128xf32>
      tpu.vector_store %arg4[%swap3A_122, %swap3A_123], %swap3A_126 {strides = array<i32>} : memref<8x2048xf32, #tpu.memory_space<vmem>>, vector<1x128xf32>,
      %slice3A_127 = vector.extract_strided_slice %scan3A_67#2 {offsets = [4, 0], sizes = [1, 128], strides = [1, 1]} : vector<8x128xf32> to vector<1x128xf32>
      %squeeze3A_128 = vector.shape_cast %slice3A_127 : vector<1x128xf32> to vector<128xf32>
      %convert_element_type3A_129 = arith.fptosi %squeeze3A_128 : vector<128xf32> to vector<128xi32>
      %swap3A_130 = arith.constant 2 : index
      %swap3A_131 = arith.index_cast %multiple_of3A : i32 to index
      %swap3A_132 = vector.load %arg1[%swap3A_130, %swap3A_131] : memref<8x2048xi32, #tpu.memory_space<vmem>>, vector<1x128xi32>
      %swap3A_133 = vector.shape_cast %swap3A_132 : vector<1x128xi32> to vector<128xi32>
      %swap3A_134 = vector.shape_cast %convert_element_type3A_129 : vector<128xi32> to vector<1x128xi32>
      tpu.vector_store %arg1[%swap3A_130, %swap3A_131], %swap3A_134 {strides = array<i32>} : memref<8x2048xi32, #tpu.memory_space<vmem>>, vector<1x128xi32>,
      %slice3A_135 = vector.extract_strided_slice %scan3A_67#2 {offsets = [5, 0], sizes = [1, 128], strides = [1, 1]} : vector<8x128xf32> to vector<1x128xf32>
      %squeeze3A_136 = vector.shape_cast %slice3A_135 : vector<1x128xf32> to vector<128xf32>
      %swap3A_137 = arith.constant 2 : index
      %swap3A_138 = arith.index_cast %multiple_of3A : i32 to index
      %swap3A_139 = vector.load %arg2[%swap3A_137, %swap3A_138] : memref<8x2048xf32, #tpu.memory_space<vmem>>, vector<1x128xf32>
      %swap3A_140 = vector.shape_cast %swap3A_139 : vector<1x128xf32> to vector<128xf32>
      %swap3A_141 = vector.shape_cast %squeeze3A_136 : vector<128xf32> to vector<1x128xf32>
      tpu.vector_store %arg2[%swap3A_137, %swap3A_138], %swap3A_141 {strides = array<i32>} : memref<8x2048xf32, #tpu.memory_space<vmem>>, vector<1x128xf32>,
      %slice3A_142 = vector.extract_strided_slice %scan3A_67#3 {offsets = [4, 0], sizes = [1, 128], strides = [1, 1]} : vector<8x128xf32> to vector<1x128xf32>
      %squeeze3A_143 = vector.shape_cast %slice3A_142 : vector<1x128xf32> to vector<128xf32>
      %swap3A_144 = arith.constant 2 : index
      %swap3A_145 = arith.index_cast %multiple_of3A : i32 to index
      %swap3A_146 = vector.load %arg3[%swap3A_144, %swap3A_145] : memref<8x2048xf32, #tpu.memory_space<vmem>>, vector<1x128xf32>
      %swap3A_147 = vector.shape_cast %swap3A_146 : vector<1x128xf32> to vector<128xf32>
      %swap3A_148 = vector.shape_cast %squeeze3A_143 : vector<128xf32> to vector<1x128xf32>
      tpu.vector_store %arg3[%swap3A_144, %swap3A_145], %swap3A_148 {strides = array<i32>} : memref<8x2048xf32, #tpu.memory_space<vmem>>, vector<1x128xf32>,
      %slice3A_149 = vector.extract_strided_slice %scan3A_67#3 {offsets = [5, 0], sizes = [1, 128], strides = [1, 1]} : vector<8x128xf32> to vector<1x128xf32>
      %squeeze3A_150 = vector.shape_cast %slice3A_149 : vector<1x128xf32> to vector<128xf32>
      %swap3A_151 = arith.constant 2 : index
      %swap3A_152 = arith.index_cast %multiple_of3A : i32 to index
      %swap3A_153 = vector.load %arg4[%swap3A_151, %swap3A_152] : memref<8x2048xf32, #tpu.memory_space<vmem>>, vector<1x128xf32>
      %swap3A_154 = vector.shape_cast %swap3A_153 : vector<1x128xf32> to vector<128xf32>
      %swap3A_155 = vector.shape_cast %squeeze3A_150 : vector<128xf32> to vector<1x128xf32>
      tpu.vector_store %arg4[%swap3A_151, %swap3A_152], %swap3A_155 {strides = array<i32>} : memref<8x2048xf32, #tpu.memory_space<vmem>>, vector<1x128xf32>,
      %slice3A_156 = vector.extract_strided_slice %scan3A_67#2 {offsets = [6, 0], sizes = [1, 128], strides = [1, 1]} : vector<8x128xf32> to vector<1x128xf32>
      %squeeze3A_157 = vector.shape_cast %slice3A_156 : vector<1x128xf32> to vector<128xf32>
      %convert_element_type3A_158 = arith.fptosi %squeeze3A_157 : vector<128xf32> to vector<128xi32>
      %swap3A_159 = arith.constant 3 : index
      %swap3A_160 = arith.index_cast %multiple_of3A : i32 to index
      %swap3A_161 = vector.load %arg1[%swap3A_159, %swap3A_160] : memref<8x2048xi32, #tpu.memory_space<vmem>>, vector<1x128xi32>
      %swap3A_162 = vector.shape_cast %swap3A_161 : vector<1x128xi32> to vector<128xi32>
      %swap3A_163 = vector.shape_cast %convert_element_type3A_158 : vector<128xi32> to vector<1x128xi32>
      tpu.vector_store %arg1[%swap3A_159, %swap3A_160], %swap3A_163 {strides = array<i32>} : memref<8x2048xi32, #tpu.memory_space<vmem>>, vector<1x128xi32>,
      %slice3A_164 = vector.extract_strided_slice %scan3A_67#2 {offsets = [7, 0], sizes = [1, 128], strides = [1, 1]} : vector<8x128xf32> to vector<1x128xf32>
      %squeeze3A_165 = vector.shape_cast %slice3A_164 : vector<1x128xf32> to vector<128xf32>
      %swap3A_166 = arith.constant 3 : index
      %swap3A_167 = arith.index_cast %multiple_of3A : i32 to index
      %swap3A_168 = vector.load %arg2[%swap3A_166, %swap3A_167] : memref<8x2048xf32, #tpu.memory_space<vmem>>, vector<1x128xf32>
      %swap3A_169 = vector.shape_cast %swap3A_168 : vector<1x128xf32> to vector<128xf32>
      %swap3A_170 = vector.shape_cast %squeeze3A_165 : vector<128xf32> to vector<1x128xf32>
      tpu.vector_store %arg2[%swap3A_166, %swap3A_167], %swap3A_170 {strides = array<i32>} : memref<8x2048xf32, #tpu.memory_space<vmem>>, vector<1x128xf32>,
      %slice3A_171 = vector.extract_strided_slice %scan3A_67#3 {offsets = [6, 0], sizes = [1, 128], strides = [1, 1]} : vector<8x128xf32> to vector<1x128xf32>
      %squeeze3A_172 = vector.shape_cast %slice3A_171 : vector<1x128xf32> to vector<128xf32>
      %swap3A_173 = arith.constant 3 : index
      %swap3A_174 = arith.index_cast %multiple_of3A : i32 to index
      %swap3A_175 = vector.load %arg3[%swap3A_173, %swap3A_174] : memref<8x2048xf32, #tpu.memory_space<vmem>>, vector<1x128xf32>
      %swap3A_176 = vector.shape_cast %swap3A_175 : vector<1x128xf32> to vector<128xf32>
      %swap3A_177 = vector.shape_cast %squeeze3A_172 : vector<128xf32> to vector<1x128xf32>
      tpu.vector_store %arg3[%swap3A_173, %swap3A_174], %swap3A_177 {strides = array<i32>} : memref<8x2048xf32, #tpu.memory_space<vmem>>, vector<1x128xf32>,
      %slice3A_178 = vector.extract_strided_slice %scan3A_67#3 {offsets = [7, 0], sizes = [1, 128], strides = [1, 1]} : vector<8x128xf32> to vector<1x128xf32>
      %squeeze3A_179 = vector.shape_cast %slice3A_178 : vector<1x128xf32> to vector<128xf32>
      %swap3A_180 = arith.constant 3 : index
      %swap3A_181 = arith.index_cast %multiple_of3A : i32 to index
      %swap3A_182 = vector.load %arg4[%swap3A_180, %swap3A_181] : memref<8x2048xf32, #tpu.memory_space<vmem>>, vector<1x128xf32>
      %swap3A_183 = vector.shape_cast %swap3A_182 : vector<1x128xf32> to vector<128xf32>
      %swap3A_184 = vector.shape_cast %squeeze3A_179 : vector<128xf32> to vector<1x128xf32>
      tpu.vector_store %arg4[%swap3A_180, %swap3A_181], %swap3A_184 {strides = array<i32>} : memref<8x2048xf32, #tpu.memory_space<vmem>>, vector<1x128xf32>,
      %slice3A_185 = vector.extract_strided_slice %scan3A_67#4 {offsets = [0, 0], sizes = [1, 128], strides = [1, 1]} : vector<8x128xf32> to vector<1x128xf32>
      %squeeze3A_186 = vector.shape_cast %slice3A_185 : vector<1x128xf32> to vector<128xf32>
      %convert_element_type3A_187 = arith.fptosi %squeeze3A_186 : vector<128xf32> to vector<128xi32>
      %swap3A_188 = arith.constant 4 : index
      %swap3A_189 = arith.index_cast %multiple_of3A : i32 to index
      %swap3A_190 = vector.load %arg1[%swap3A_188, %swap3A_189] : memref<8x2048xi32, #tpu.memory_space<vmem>>, vector<1x128xi32>
      %swap3A_191 = vector.shape_cast %swap3A_190 : vector<1x128xi32> to vector<128xi32>
      %swap3A_192 = vector.shape_cast %convert_element_type3A_187 : vector<128xi32> to vector<1x128xi32>
      tpu.vector_store %arg1[%swap3A_188, %swap3A_189], %swap3A_192 {strides = array<i32>} : memref<8x2048xi32, #tpu.memory_space<vmem>>, vector<1x128xi32>,
      %slice3A_193 = vector.extract_strided_slice %scan3A_67#4 {offsets = [1, 0], sizes = [1, 128], strides = [1, 1]} : vector<8x128xf32> to vector<1x128xf32>
      %squeeze3A_194 = vector.shape_cast %slice3A_193 : vector<1x128xf32> to vector<128xf32>
      %swap3A_195 = arith.constant 4 : index
      %swap3A_196 = arith.index_cast %multiple_of3A : i32 to index
      %swap3A_197 = vector.load %arg2[%swap3A_195, %swap3A_196] : memref<8x2048xf32, #tpu.memory_space<vmem>>, vector<1x128xf32>
      %swap3A_198 = vector.shape_cast %swap3A_197 : vector<1x128xf32> to vector<128xf32>
      %swap3A_199 = vector.shape_cast %squeeze3A_194 : vector<128xf32> to vector<1x128xf32>
      tpu.vector_store %arg2[%swap3A_195, %swap3A_196], %swap3A_199 {strides = array<i32>} : memref<8x2048xf32, #tpu.memory_space<vmem>>, vector<1x128xf32>,
      %slice3A_200 = vector.extract_strided_slice %scan3A_67#5 {offsets = [0, 0], sizes = [1, 128], strides = [1, 1]} : vector<8x128xf32> to vector<1x128xf32>
      %squeeze3A_201 = vector.shape_cast %slice3A_200 : vector<1x128xf32> to vector<128xf32>
      %swap3A_202 = arith.constant 4 : index
      %swap3A_203 = arith.index_cast %multiple_of3A : i32 to index
      %swap3A_204 = vector.load %arg3[%swap3A_202, %swap3A_203] : memref<8x2048xf32, #tpu.memory_space<vmem>>, vector<1x128xf32>
      %swap3A_205 = vector.shape_cast %swap3A_204 : vector<1x128xf32> to vector<128xf32>
      %swap3A_206 = vector.shape_cast %squeeze3A_201 : vector<128xf32> to vector<1x128xf32>
      tpu.vector_store %arg3[%swap3A_202, %swap3A_203], %swap3A_206 {strides = array<i32>} : memref<8x2048xf32, #tpu.memory_space<vmem>>, vector<1x128xf32>,
      %slice3A_207 = vector.extract_strided_slice %scan3A_67#5 {offsets = [1, 0], sizes = [1, 128], strides = [1, 1]} : vector<8x128xf32> to vector<1x128xf32>
      %squeeze3A_208 = vector.shape_cast %slice3A_207 : vector<1x128xf32> to vector<128xf32>
      %swap3A_209 = arith.constant 4 : index
      %swap3A_210 = arith.index_cast %multiple_of3A : i32 to index
      %swap3A_211 = vector.load %arg4[%swap3A_209, %swap3A_210] : memref<8x2048xf32, #tpu.memory_space<vmem>>, vector<1x128xf32>
      %swap3A_212 = vector.shape_cast %swap3A_211 : vector<1x128xf32> to vector<128xf32>
      %swap3A_213 = vector.shape_cast %squeeze3A_208 : vector<128xf32> to vector<1x128xf32>
      tpu.vector_store %arg4[%swap3A_209, %swap3A_210], %swap3A_213 {strides = array<i32>} : memref<8x2048xf32, #tpu.memory_space<vmem>>, vector<1x128xf32>,
      %slice3A_214 = vector.extract_strided_slice %scan3A_67#4 {offsets = [2, 0], sizes = [1, 128], strides = [1, 1]} : vector<8x128xf32> to vector<1x128xf32>
      %squeeze3A_215 = vector.shape_cast %slice3A_214 : vector<1x128xf32> to vector<128xf32>
      %convert_element_type3A_216 = arith.fptosi %squeeze3A_215 : vector<128xf32> to vector<128xi32>
      %swap3A_217 = arith.constant 5 : index
      %swap3A_218 = arith.index_cast %multiple_of3A : i32 to index
      %swap3A_219 = vector.load %arg1[%swap3A_217, %swap3A_218] : memref<8x2048xi32, #tpu.memory_space<vmem>>, vector<1x128xi32>
      %swap3A_220 = vector.shape_cast %swap3A_219 : vector<1x128xi32> to vector<128xi32>
      %swap3A_221 = vector.shape_cast %convert_element_type3A_216 : vector<128xi32> to vector<1x128xi32>
      tpu.vector_store %arg1[%swap3A_217, %swap3A_218], %swap3A_221 {strides = array<i32>} : memref<8x2048xi32, #tpu.memory_space<vmem>>, vector<1x128xi32>,
      %slice3A_222 = vector.extract_strided_slice %scan3A_67#4 {offsets = [3, 0], sizes = [1, 128], strides = [1, 1]} : vector<8x128xf32> to vector<1x128xf32>
      %squeeze3A_223 = vector.shape_cast %slice3A_222 : vector<1x128xf32> to vector<128xf32>
      %swap3A_224 = arith.constant 5 : index
      %swap3A_225 = arith.index_cast %multiple_of3A : i32 to index
      %swap3A_226 = vector.load %arg2[%swap3A_224, %swap3A_225] : memref<8x2048xf32, #tpu.memory_space<vmem>>, vector<1x128xf32>
      %swap3A_227 = vector.shape_cast %swap3A_226 : vector<1x128xf32> to vector<128xf32>
      %swap3A_228 = vector.shape_cast %squeeze3A_223 : vector<128xf32> to vector<1x128xf32>
      tpu.vector_store %arg2[%swap3A_224, %swap3A_225], %swap3A_228 {strides = array<i32>} : memref<8x2048xf32, #tpu.memory_space<vmem>>, vector<1x128xf32>,
      %slice3A_229 = vector.extract_strided_slice %scan3A_67#5 {offsets = [2, 0], sizes = [1, 128], strides = [1, 1]} : vector<8x128xf32> to vector<1x128xf32>
      %squeeze3A_230 = vector.shape_cast %slice3A_229 : vector<1x128xf32> to vector<128xf32>
      %swap3A_231 = arith.constant 5 : index
      %swap3A_232 = arith.index_cast %multiple_of3A : i32 to index
      %swap3A_233 = vector.load %arg3[%swap3A_231, %swap3A_232] : memref<8x2048xf32, #tpu.memory_space<vmem>>, vector<1x128xf32>
      %swap3A_234 = vector.shape_cast %swap3A_233 : vector<1x128xf32> to vector<128xf32>
      %swap3A_235 = vector.shape_cast %squeeze3A_230 : vector<128xf32> to vector<1x128xf32>
      tpu.vector_store %arg3[%swap3A_231, %swap3A_232], %swap3A_235 {strides = array<i32>} : memref<8x2048xf32, #tpu.memory_space<vmem>>, vector<1x128xf32>,
      %slice3A_236 = vector.extract_strided_slice %scan3A_67#5 {offsets = [3, 0], sizes = [1, 128], strides = [1, 1]} : vector<8x128xf32> to vector<1x128xf32>
      %squeeze3A_237 = vector.shape_cast %slice3A_236 : vector<1x128xf32> to vector<128xf32>
      %swap3A_238 = arith.constant 5 : index
      %swap3A_239 = arith.index_cast %multiple_of3A : i32 to index
      %swap3A_240 = vector.load %arg4[%swap3A_238, %swap3A_239] : memref<8x2048xf32, #tpu.memory_space<vmem>>, vector<1x128xf32>
      %swap3A_241 = vector.shape_cast %swap3A_240 : vector<1x128xf32> to vector<128xf32>
      %swap3A_242 = vector.shape_cast %squeeze3A_237 : vector<128xf32> to vector<1x128xf32>
      tpu.vector_store %arg4[%swap3A_238, %swap3A_239], %swap3A_242 {strides = array<i32>} : memref<8x2048xf32, #tpu.memory_space<vmem>>, vector<1x128xf32>,
      %slice3A_243 = vector.extract_strided_slice %scan3A_67#4 {offsets = [4, 0], sizes = [1, 128], strides = [1, 1]} : vector<8x128xf32> to vector<1x128xf32>
      %squeeze3A_244 = vector.shape_cast %slice3A_243 : vector<1x128xf32> to vector<128xf32>
      %convert_element_type3A_245 = arith.fptosi %squeeze3A_244 : vector<128xf32> to vector<128xi32>
      %swap3A_246 = arith.constant 6 : index
      %swap3A_247 = arith.index_cast %multiple_of3A : i32 to index
      %swap3A_248 = vector.load %arg1[%swap3A_246, %swap3A_247] : memref<8x2048xi32, #tpu.memory_space<vmem>>, vector<1x128xi32>
      %swap3A_249 = vector.shape_cast %swap3A_248 : vector<1x128xi32> to vector<128xi32>
      %swap3A_250 = vector.shape_cast %convert_element_type3A_245 : vector<128xi32> to vector<1x128xi32>
      tpu.vector_store %arg1[%swap3A_246, %swap3A_247], %swap3A_250 {strides = array<i32>} : memref<8x2048xi32, #tpu.memory_space<vmem>>, vector<1x128xi32>,
      %slice3A_251 = vector.extract_strided_slice %scan3A_67#4 {offsets = [5, 0], sizes = [1, 128], strides = [1, 1]} : vector<8x128xf32> to vector<1x128xf32>
      %squeeze3A_252 = vector.shape_cast %slice3A_251 : vector<1x128xf32> to vector<128xf32>
      %swap3A_253 = arith.constant 6 : index
      %swap3A_254 = arith.index_cast %multiple_of3A : i32 to index
      %swap3A_255 = vector.load %arg2[%swap3A_253, %swap3A_254] : memref<8x2048xf32, #tpu.memory_space<vmem>>, vector<1x128xf32>
      %swap3A_256 = vector.shape_cast %swap3A_255 : vector<1x128xf32> to vector<128xf32>
      %swap3A_257 = vector.shape_cast %squeeze3A_252 : vector<128xf32> to vector<1x128xf32>
      tpu.vector_store %arg2[%swap3A_253, %swap3A_254], %swap3A_257 {strides = array<i32>} : memref<8x2048xf32, #tpu.memory_space<vmem>>, vector<1x128xf32>,
      %slice3A_258 = vector.extract_strided_slice %scan3A_67#5 {offsets = [4, 0], sizes = [1, 128], strides = [1, 1]} : vector<8x128xf32> to vector<1x128xf32>
      %squeeze3A_259 = vector.shape_cast %slice3A_258 : vector<1x128xf32> to vector<128xf32>
      %swap3A_260 = arith.constant 6 : index
      %swap3A_261 = arith.index_cast %multiple_of3A : i32 to index
      %swap3A_262 = vector.load %arg3[%swap3A_260, %swap3A_261] : memref<8x2048xf32, #tpu.memory_space<vmem>>, vector<1x128xf32>
      %swap3A_263 = vector.shape_cast %swap3A_262 : vector<1x128xf32> to vector<128xf32>
      %swap3A_264 = vector.shape_cast %squeeze3A_259 : vector<128xf32> to vector<1x128xf32>
      tpu.vector_store %arg3[%swap3A_260, %swap3A_261], %swap3A_264 {strides = array<i32>} : memref<8x2048xf32, #tpu.memory_space<vmem>>, vector<1x128xf32>,
      %slice3A_265 = vector.extract_strided_slice %scan3A_67#5 {offsets = [5, 0], sizes = [1, 128], strides = [1, 1]} : vector<8x128xf32> to vector<1x128xf32>
      %squeeze3A_266 = vector.shape_cast %slice3A_265 : vector<1x128xf32> to vector<128xf32>
      %swap3A_267 = arith.constant 6 : index
      %swap3A_268 = arith.index_cast %multiple_of3A : i32 to index
      %swap3A_269 = vector.load %arg4[%swap3A_267, %swap3A_268] : memref<8x2048xf32, #tpu.memory_space<vmem>>, vector<1x128xf32>
      %swap3A_270 = vector.shape_cast %swap3A_269 : vector<1x128xf32> to vector<128xf32>
      %swap3A_271 = vector.shape_cast %squeeze3A_266 : vector<128xf32> to vector<1x128xf32>
      tpu.vector_store %arg4[%swap3A_267, %swap3A_268], %swap3A_271 {strides = array<i32>} : memref<8x2048xf32, #tpu.memory_space<vmem>>, vector<1x128xf32>,
      %slice3A_272 = vector.extract_strided_slice %scan3A_67#4 {offsets = [6, 0], sizes = [1, 128], strides = [1, 1]} : vector<8x128xf32> to vector<1x128xf32>
      %squeeze3A_273 = vector.shape_cast %slice3A_272 : vector<1x128xf32> to vector<128xf32>
      %convert_element_type3A_274 = arith.fptosi %squeeze3A_273 : vector<128xf32> to vector<128xi32>
      %swap3A_275 = arith.constant 7 : index
      %swap3A_276 = arith.index_cast %multiple_of3A : i32 to index
      %swap3A_277 = vector.load %arg1[%swap3A_275, %swap3A_276] : memref<8x2048xi32, #tpu.memory_space<vmem>>, vector<1x128xi32>
      %swap3A_278 = vector.shape_cast %swap3A_277 : vector<1x128xi32> to vector<128xi32>
      %swap3A_279 = vector.shape_cast %convert_element_type3A_274 : vector<128xi32> to vector<1x128xi32>
      tpu.vector_store %arg1[%swap3A_275, %swap3A_276], %swap3A_279 {strides = array<i32>} : memref<8x2048xi32, #tpu.memory_space<vmem>>, vector<1x128xi32>,
      %slice3A_280 = vector.extract_strided_slice %scan3A_67#4 {offsets = [7, 0], sizes = [1, 128], strides = [1, 1]} : vector<8x128xf32> to vector<1x128xf32>
      %squeeze3A_281 = vector.shape_cast %slice3A_280 : vector<1x128xf32> to vector<128xf32>
      %swap3A_282 = arith.constant 7 : index
      %swap3A_283 = arith.index_cast %multiple_of3A : i32 to index
      %swap3A_284 = vector.load %arg2[%swap3A_282, %swap3A_283] : memref<8x2048xf32, #tpu.memory_space<vmem>>, vector<1x128xf32>
      %swap3A_285 = vector.shape_cast %swap3A_284 : vector<1x128xf32> to vector<128xf32>
      %swap3A_286 = vector.shape_cast %squeeze3A_281 : vector<128xf32> to vector<1x128xf32>
      tpu.vector_store %arg2[%swap3A_282, %swap3A_283], %swap3A_286 {strides = array<i32>} : memref<8x2048xf32, #tpu.memory_space<vmem>>, vector<1x128xf32>,
      %slice3A_287 = vector.extract_strided_slice %scan3A_67#5 {offsets = [6, 0], sizes = [1, 128], strides = [1, 1]} : vector<8x128xf32> to vector<1x128xf32>
      %squeeze3A_288 = vector.shape_cast %slice3A_287 : vector<1x128xf32> to vector<128xf32>
      %swap3A_289 = arith.constant 7 : index
      %swap3A_290 = arith.index_cast %multiple_of3A : i32 to index
      %swap3A_291 = vector.load %arg3[%swap3A_289, %swap3A_290] : memref<8x2048xf32, #tpu.memory_space<vmem>>, vector<1x128xf32>
      %swap3A_292 = vector.shape_cast %swap3A_291 : vector<1x128xf32> to vector<128xf32>
      %swap3A_293 = vector.shape_cast %squeeze3A_288 : vector<128xf32> to vector<1x128xf32>
      tpu.vector_store %arg3[%swap3A_289, %swap3A_290], %swap3A_293 {strides = array<i32>} : memref<8x2048xf32, #tpu.memory_space<vmem>>, vector<1x128xf32>,
      %slice3A_294 = vector.extract_strided_slice %scan3A_67#5 {offsets = [7, 0], sizes = [1, 128], strides = [1, 1]} : vector<8x128xf32> to vector<1x128xf32>
      %squeeze3A_295 = vector.shape_cast %slice3A_294 : vector<1x128xf32> to vector<128xf32>
      %swap3A_296 = arith.constant 7 : index
      %swap3A_297 = arith.index_cast %multiple_of3A : i32 to index
      %swap3A_298 = vector.load %arg4[%swap3A_296, %swap3A_297] : memref<8x2048xf32, #tpu.memory_space<vmem>>, vector<1x128xf32>
      %swap3A_299 = vector.shape_cast %swap3A_298 : vector<1x128xf32> to vector<128xf32>
      %swap3A_300 = vector.shape_cast %squeeze3A_295 : vector<128xf32> to vector<1x128xf32>
      tpu.vector_store %arg4[%swap3A_296, %swap3A_297], %swap3A_300 {strides = array<i32>} : memref<8x2048xf32, #tpu.memory_space<vmem>>, vector<1x128xf32>,
      scf.yield %scan3A_67#0, %scan3A_67#1 : vector<8x1xf32>, vector<8x1xf32>
    }
    %scan3A_57 = arith.constant 16 : i32
    return
  }
}

</mosaic_0001>

<sc_bundles>
// kernel: kernel.4.cloned.1.call-start
scs
__scs_entry_jumppad:
0x0: {  	(pc) =	sbr.rel $0x88, $3  }
0x1: {  	(tag) =	ssettag $0x0;
	lr =	simm.s32 $0x1  }
0x2: {  	[smem:$0x3F9F] =	sst lr;
	_ =	strace $0xD0000000  }
0x3: {  	_ = 	snop  }
0x4: {  	_ = 	snop  }
0x5: {  	_ = 	snop  }
0x6: {  	_ = 	snop  }
0x7: {  	_ = 	snop  }
__scs_overlays_trampoline_lowered:
0x8: {  	[smem:$0x3FAE] =	sst s0  }
0x9: {  	[smem:$0x3FAF] =	sst s1  }
0xa: {  	[smem:$0x3FB0] =	sst s2  }
0xb: {  	[smem:$0x3FB1] =	sst s3  }
0xc: {  	[smem:$0x3FB2] =	sst s4  }
0xd: {  	[smem:$0x3FB3] =	sst s5  }
0xe: {  	[smem:$0x3FB4] =	sst s6  }
0xf: {  	[smem:$0x3FB5] =	sst s7  }
0x10: {  	[smem:$0x3FB6] =	sst s8  }
0x11: {  	[smem:$0x3FB7] =	sst s9;
	s0 =	simm.s32 @!p0 $0x0  }
0x12: {  	s1 =	sld [smem:$0x3F9D];
	s0 =	simm.s32 @p0 $0x1  }
0x13: {  	[smem:$0x3FB8] =	sst s0;
	s0 =	simm.s32 @!p1 $0x0  }
0x14: {  	s2 =	sld [smem:$0x3F9C];
	s0 =	simm.s32 @p1 $0x1  }
0x15: {  	[smem:$0x3FB9] =	sst s0;
	s0 =	simm.s32 @!p2 $0x0  }
0x16: {  	s3 =	sld [smem:$0x3FDB];
	s0 =	simm.s32 @p2 $0x1  }
0x17: {  	s4 =	simm.s32 $0x1BF5;
	[smem:$0x3FBB] =	sst s0  }
0x18: {  	s0 =	sld [smem:$0x3F9E];
	_ =	swait.ge [sflag:s4], $0x0  }
0x19: {  	s7 =	sld [smem:$0x3F9F]  }
0x1a: {  	s8 =	sadd.s32 $0xFFFFE003, lr  }
0x1b: {  	s9 =	sadd.s32 $0xFFFFFEF7, lr;
	s5 =	simm.s32 $0xFFFFFFFF;
	p2 =	slt.u32 s8, $0xFFFFF086  }
0x1c: {  	p1 =	slt.u32 s9, $0xF7A;
	s5 =	simm.s32 @!p2 $0x0  }
0x1d: {  	s5 =	simm.s32 @p1 $0x1;
	p0 =	seq.s32 s7, s2  }
0x1e: {  	s7 =	smul.u32 @!p0 $0xF7A, s2;
	p2 =	seq.s32 @!p0 s5, $0x0  }
0x1f: {  	s9 =	smul.u32 $0xF7A, s1;
	s8 =	simm.s32 @!p0 $0x1BF5;
	p2 =	por !p2, p0  }
0x20: {  	[sflag:s8] =	ssyncset.s32 @!p0 $0xFFFFF086;
	s6 =	sadd.s32 @!p0 s3, s7;
	s7 =	simm.s32 @!p0 $0x108  }
0x21: {  	s3 =	sadd.s32 s3, s9;
	s6 =	sadd.s32 @!p0 $0x88, s6;
	s7 =	simm.s32 @p2 $0x1082  }
0x22: {  	[simem:s7], [sflag:s8] =	dma.local @!p0 [hbm:s6], $0xF7A  }
0x23: {  	s9 =	sor.u32 $0xD0000000, s2;
	s6 =	simm.s32 $0x108;
	_ =	swait.ge @!p0 [sflag:s8], $0x0  }
0x24: {  	s3 =	sadd.s32 $0x88, s3;
	s6 =	simm.s32 @!p1 $0x1082;
	[sflag:s4] =	ssyncset.s32 $0xFFFFF086  }
0x25: {  	[simem:s6], [sflag:s4] =	dma.local [hbm:s3], $0xF7A  }
0x26: {  	[smem:$0x3F9F] =	sst s1;
	(tag) =	ssettag s2;
	_ =	strace s9  }
0x27: {  	s1 =	sld [smem:$0x3FAF]  }
0x28: {  	s2 =	sld [smem:$0x3FB0]  }
0x29: {  	s4 =	sld [smem:$0x3FB2]  }
0x2a: {  	p0 =	seq.s32 s5, $0x0;
	s5 =	sld [smem:$0x3FB3]  }
0x2b: {  	s6 =	sld [smem:$0x3FB4]  }
0x2c: {  	s7 =	sld [smem:$0x3FB5]  }
0x2d: {  	s3 =	simm.s32 $0x108;
	s8 =	sld [smem:$0x3FB6]  }
0x2e: {  	s3 =	simm.s32 @!p0 $0x1082;
	s9 =	sld [smem:$0x3FB7]  }
0x2f: {  	lr =	sadd.s32 s0, s3;
	s0 =	sld [smem:$0x3FAE]  }
0x30: {  	s3 =	sld [smem:$0x3FB1]  }
0x31: {  	[smem:$0x3FBA] =	sst s10  }
0x32: {  	s10 =	sld [smem:$0x3FB8];
	_ =	sdelay $0x3  }
0x33: {  	p0 =	seq.s32 s10, $0x1;
	s10 =	sld [smem:$0x3FBA];
	_ =	sdelay $0x3  }
0x34: {  	[smem:$0x3FBA] =	sst s10  }
0x35: {  	s10 =	sld [smem:$0x3FB9];
	_ =	sdelay $0x3  }
0x36: {  	p1 =	seq.s32 s10, $0x1;
	s10 =	sld [smem:$0x3FBA];
	_ =	sdelay $0x3  }
0x37: {  	[smem:$0x3FBA] =	sst s10  }
0x38: {  	s10 =	sld [smem:$0x3FBB]  }
0x39: {  	_ = 	snop;
	(pc) =	sbr.ind lr, $3  }
0x3a: {  	_ = 	snop  }
0x3b: {  	_ = 	snop  }
0x3c: {  	p2 =	seq.s32 s10, $0x1;
	s10 =	sld [smem:$0x3FBA]  }
0x3d: {  	_ =	shalt  }
0x3e: {  	_ =	shalt  }
0x3f: {  	_ =	shalt  }
0x40: {  	_ =	shalt  }
0x41: {  	_ =	shalt  }
0x42: {  	_ =	shalt  }
0x43: {  	_ =	shalt  }
0x44: {  	_ =	shalt  }
0x45: {  	_ =	shalt  }
0x46: {  	_ =	shalt  }
0x47: {  	_ =	shalt  }
0x48: {  	_ =	shalt  }
0x49: {  	_ =	shalt  }
0x4a: {  	_ =	shalt  }
0x4b: {  	_ =	shalt  }
0x4c: {  	_ =	shalt  }
0x4d: {  	_ =	shalt  }
0x4e: {  	_ =	shalt  }
0x4f: {  	_ =	shalt  }
0x50: {  	_ =	shalt  }
0x51: {  	_ =	shalt  }
0x52: {  	_ =	shalt  }
0x53: {  	_ =	shalt  }
0x54: {  	_ =	shalt  }
0x55: {  	_ =	shalt  }
0x56: {  	_ =	shalt  }
0x57: {  	_ =	shalt  }
0x58: {  	_ =	shalt  }
0x59: {  	_ =	shalt  }
0x5a: {  	_ =	shalt  }
0x5b: {  	_ =	shalt  }
0x5c: {  	_ =	shalt  }
0x5d: {  	_ =	shalt  }
0x5e: {  	_ =	shalt  }
0x5f: {  	_ =	shalt  }
0x60: {  	_ =	shalt  }
0x61: {  	_ =	shalt  }
0x62: {  	_ =	shalt  }
0x63: {  	_ =	shalt  }
0x64: {  	_ =	shalt  }
0x65: {  	_ =	shalt  }
0x66: {  	_ =	shalt  }
0x67: {  	_ =	shalt  }
0x68: {  	_ =	shalt  }
0x69: {  	_ =	shalt  }
0x6a: {  	_ =	shalt  }
0x6b: {  	_ =	shalt  }
0x6c: {  	_ =	shalt  }
0x6d: {  	_ =	shalt  }
0x6e: {  	_ =	shalt  }
0x6f: {  	_ =	shalt  }
0x70: {  	_ =	shalt  }
0x71: {  	_ =	shalt  }
0x72: {  	_ =	shalt  }
0x73: {  	_ =	shalt  }
0x74: {  	_ =	shalt  }
0x75: {  	_ =	shalt  }
0x76: {  	_ =	shalt  }
0x77: {  	_ =	shalt  }
0x78: {  	_ =	shalt  }
0x79: {  	_ =	shalt  }
0x7a: {  	_ =	shalt  }
0x7b: {  	_ =	shalt  }
0x7c: {  	_ =	shalt  }
0x7d: {  	_ =	shalt  }
0x7e: {  	_ =	shalt  }
0x7f: {  	_ =	shalt  }
0x80: {  	_ =	shalt  }
0x81: {  	_ =	shalt  }
0x82: {  	_ =	shalt  }
0x83: {  	_ =	shalt  }
0x84: {  	_ =	shalt  }
0x85: {  	_ =	shalt  }
0x86: {  	_ =	shalt  }
0x87: {  	_ =	shalt  }
.Lfunc_end0:
.L_simem_size_0:
called_computation_lowered:
.L_overlay_start_0:
0x88: {  	s2 =	sld [smem:$0x3FD9]  }
0x89: {  	s3 =	sld [smem:$0x3FFE];
	_ =	sdelay $0x1  }
0x8a: {  	s1 =	srdreg.scid  }
0x8b: {  	s0 =	sand.u32 $0x1, s1  }
0x8c: {  	s14 =	sshll.u32 s0, $0xA;
	s2 =	sadd.s32 s3, s2  }
0x8d: {  	s2 =	sadd.s32 s2, s14  }
0x8e: {  	[smem:$0x3FC6] =	sst s2  }
0x8f: {  	_ = 	snop  }
0x90: {  	s2 =	sld [smem:$0x3FD0];
	_ =	sdelay $0x2  }
0x91: {  	s4 =	simm.s32 $0xA;
	s5 =	simm.s32 $0x10;
	s15 =	sld [smem:$0x3FC8]  }
0x92: {  	[smem:s5], [sflag:s4] =	dma.local [hbm:s2], $0x1  }
0x93: {  	_ =	swait.eq [sflag:s4], $0x1  }
0x94: {  	[sflag:s4] =	ssyncset.done $0x0  }
0x95: {  	[sflag:s4] =	ssyncadd.s32 $0xFFFFFFFF  }
0x96: {  	s16 =	sld [smem:$0x11];
	(tm) =	ssettm $0x1  }
0x97: {  	s17 =	sld [smem:$0x3FFB];
	_ =	sdelay $0x3  }
0x98: {  	_ =	strace s17  }
0x99: {  	s4 =	sld [smem:$0x3FFC];
	_ =	sdelay $0x3  }
0x9a: {  	_ =	strace s4  }
0x9b: {  	s4 =	sld [smem:$0x3FFD];
	_ =	sdelay $0x3  }
0x9c: {  	_ =	strace s4  }
0x9d: {  	_ =	strace $0x8FFFFFFF  }
0x9e: {  	s18 =	sld [smem:$0x3FDB];
	_ =	sdelay $0x1  }
0x9f: {  	s19 =	simm.s32 $_scs_section_size  }
0xa0: {  	s6 =	simm.s32 $_size__tile_overlayer_lowered;
	s7 =	simm.s32 $_tile_overlayer_lowered  }
0xa1: {  	s22 =	simm.s32 $0x1BFF;
	s21 =	sshll.u32 s7, $0x1;
	s4 =	sadd.s32 s19, s18  }
0xa2: {  	s8 =	simm.s32 $0x0;
	s20 =	sshll.u32 s6, $0x1;
	s6 =	sadd.s32 s21, s4  }
0xa3: {  	[timem:s8], [sflag:s22] =	dma.local [hbm:s6], s20  }
0xa4: {  	_ =	swait.ge [sflag:s22], s20  }
0xa5: {  	s5 =	ssub.s32 $0x0, s20;
	[sflag:s22] =	ssyncset.done $0x0  }
0xa6: {  	[sflag:s22] =	ssyncadd.s32 s5;
	_ =	sdelay $0x1  }
0xa7: {  	s23 =	simm.s32 $0x1B8B  }
0xa8: {  	_ =	swait.ge [sflag:s23], $0x1  }
0xa9: {  	[sflag:s23] =	ssyncset.done $0x0  }
0xaa: {  	s25 =	simm.s32 $0x1B8E;
	s24 =	sld [smem:$0x3FFE];
	[sflag:s23] =	ssyncadd.s32 $0xFFFFFFFF  }
0xab: {  	s26 =	simm.s32 $execute0_lowered;
	[smem:$0x3FD2] =	sst s25  }
0xac: {  	s6 =	sshll.u32 s26, $0x1;
	_ =	strace $0x80000046;
	[dreg:$0x1] =	wrdreg $0xFFFFFFFF  }
0xad: {  	s28 =	simm.s32 $_size_execute0_lowered;
	s4 =	sadd.s32 s4, s6;
	[dreg:$0x0] =	wrdreg $0x0  }
0xae: {  	s6 =	sshll.u32 s28, $0x1;
	[dreg:$0x2] =	wrdreg s4  }
0xaf: {  	[dreg:$0x3] =	wrdreg s6  }
0xb0: {  	[dreg:$0x4] =	wrdreg $0xC0  }
0xb1: {  	_ =	task [dreg:s8], $0x5FFFF  }
0xb2: {  	[dreg:$0x1] =	wrdreg $0xFFFFFFFF  }
0xb3: {  	[dreg:$0x0] =	wrdreg $0x60  }
0xb4: {  	[dreg:$0x2] =	wrdreg s15  }
0xb5: {  	[dreg:$0x3] =	wrdreg s24  }
0xb6: {  	[dreg:$0x4] =	wrdreg s16  }
0xb7: {  	[dreg:$0x5] =	wrdreg $0x9  }
0xb8: {  	_ =	task.clear_ibuf [dreg:s8], $0x6FFFF;
	_ =	strace $0x90000046  }
0xb9: {  	s29 =	simm.s32 $0x9;
	_ =	strace $0x80000048  }
0xba: {  	_ =	swait.ge [sflag:s29], $0x1  }
0xbb: {  	[sflag:s29] =	ssyncadd.s32 $0xFFFFFFFF  }
0xbc: {  	_ =	strace $0x90000048  }
0xbd: {  	_ =	sfence  }
0xbe: {  	s30 =	sld [smem:$0x0];
	_ =	sdelay $0x2  }
0xbf: {  	s31 =	sshll.u32 s1, $0xD;
	s1 =	sshrl.u32 s1, $0x2  }
0xc0: {  	s3 =	sand.u32 $0x4000, s31;
	s1 =	sadd.s32 s1, s30  }
0xc1: {  	s0 =	sor.u32 s3, s0;
	s1 =	sshll.u32 s1, $0x11  }
0xc2: {  	s0 =	sor.u32 s1, s0  }
0xc3: {  	s0 =	sadd.s32 $0x8F2B, s0  }
0xc4: {  	[sflag:s0] =	ssyncadd.remote.s32 $0x1  }
0xc5: {  	_ =	sfence.sel $0xFFFF  }
0xc6: {  	[dreg:$0x0] =	wrdreg $0xFFFFFFFF;
	(pc) =	sbr.abs _section_cstart, $3  }
0xc7: {  	[dreg:$0x1] =	wrdreg $0xFFFFFFFF  }
0xc8: {  	_ =	task.clear_ibuf [dreg:s8], $0x2FFFF;
	_ =	strace $0x9FFFFFFF  }
0xc9: {  	(tm) =	ssettm $0x7FFFFFFF  }
tec
execute0_lowered:
.L_overlay_start_1:
0x0: {  	(tag) =	ssettag $0x1  }
0x1: {  	s1 =	rddreg [dreg:$0x0]  }
0x2: {  	s0 =	rddreg [dreg:$0x1]  }
0x3: {  	s3 =	rddreg [dreg:$0x2]  }
0x4: {  	s4 =	simm.s32 $0x0;
	s6 =	stileid.u32;
	s2 =	srdreg.scid  }
0x5: {  	s13 =	simm.s32 $0x1;
	s14 =	simm.s32 $0x800;
	s15 =	simm.s32 $0x4D80  }
0x6: {  	s16 =	simm.s32 $0x4E80;
	s17 =	simm.s32 $0x4F80;
	s18 =	simm.s32 $0x5080  }
0x7: {  	s19 =	simm.s32 $0x5180;
	s20 =	simm.s32 $0x5280;
	s21 =	simm.s32 $0x5380  }
0x8: {  	s22 =	simm.s32 $0x5480;
	s23 =	simm.s32 $0x5580;
	s24 =	simm.s32 $0x5680  }
0x9: {  	s25 =	simm.s32 $0x5780;
	s9 =	simm.s32 $0x0;
	[smem:$0x7FF] =	sst s4  }
0xa: {  	s2 =	sand.u32 $0x1, s2;
	s5 =	sshll.u32 s6, $0x1;
	s6 =	sshll.u32 s6, $0x3  }
0xb: {  	_ =	strace $0x80000047;
	s7 =	ssub.s32 $0x2, s2;
	s2 =	sor.u32 s2, s5  }
.Ltmp0:
0xc: {  	s29 =	sand.u32 $0x70, s6;
	s30 =	sshrl.u32 s7, $0x1;
	(pc) =	sbr.rel .LBB2_1-.Ltmp0, $4  }
0xd: {  	s8 =	sshll.u32 s2, $0xF;
	s0 =	sadd.s32 s29, s0;
	s6 =	sshll.u32 s2, $0x5  }
0xe: {  	s2 =	simm.s32 $0x2;
	s7 =	ssub.s32 s7, s30;
	s0 =	sadd.s32 $0x800, s0  }
0xf: {  	s5 =	sadd.s32 s1, s8;
	[dreg:$0x4] =	wrdreg s0;
	s31 =	smax.u32 s7, $0x1  }
0x10: {  	s8 =	sadd.s32 $0x10, s5;
	s0 =	simm.s32 $0x4;
	[dreg:$0x5] =	wrdreg s31  }
.LBB2_19:
0x11: {  	s7 =	simm.s32 $0x3  }
0x12: {  	_ =	swait.ge [sflag:s7], $0x800  }
0x13: {  	[sflag:s7] =	ssyncset.done $0x0  }
0x14: {  	[sflag:s7] =	ssyncadd.s32 $0xFFFFF800  }
0x15: {  	_ =	swait.ge [sflag:s0], $0x800  }
0x16: {  	s9 =	rddreg [dreg:$0x6]  }
0x17: {  	s31 =	rddreg [dreg:$0x5];
	s9 =	sadd.s32 $0x1, s9  }
0x18: {  	p0 =	sne.s32 s9, s31  }
.Ltmp1:
0x19: {  	_ = 	snop;
	(pc) =	sbr.rel @!p0 .LBB2_20-.Ltmp1, $3  }
0x1a: {  	_ =	sdelay $0x1  }
0x1b: {  	[sflag:s0] =	ssyncset.done $0x0  }
0x1c: {  	[sflag:s0] =	ssyncadd.s32 $0xFFFFF800  }
.LBB2_1:
0x1d: {  	[dreg:$0x6] =	wrdreg s9  }
0x1e: {  	s7 =	rddreg [dreg:$0x4]  }
0x1f: {  	s30 =	simm.s32 $0x80;
	s10 =	simm.s32 $0x400;
	s31 =	simm.s32 $0x5  }
0x20: {  	[tilespmem:s4], [sflag:$0x5] =	stream.strided.gather [hbm4b:s7+s30], $0x800, s10, s30, $0x38;
	[tilespmem:$0x5800] =	vst v63  }
0x21: {  	_ =	swait.ge [sflag:s31], $0x800  }
0x22: {  	s26 =	sadd.s32 $0x0, s5;
	s11 =	simm.s32 $0x900;
	[sflag:s31] =	ssyncset.done $0x0  }
0x23: {  	s10 =	simm.s32 $0x80;
	s7 =	simm.s32 $0x800;
	[sflag:s31] =	ssyncadd.s32 $0xFFFFF800  }
.LBB2_2:
0x24: {  	[tilespmem:s7], [sflag:$0x1] =	stream.linear.gather [hbm4b:s26+s4], $0x80, $0x38;
	[tilespmem:$0x5800] =	vst v63  }
0x25: {  	s9 =	smov.u32 s10;
	s7 =	smov.u32 s11;
	p0 =	sne.s32 s10, $0x1F80  }
.Ltmp2:
0x26: {  	s10 =	sadd.s32 $0x80, s10;
	(pc) =	sbr.rel @p0 .LBB2_2-.Ltmp2, $2  }
0x27: {  	_ =	sdelay $0x2  }
0x28: {  	s11 =	sadd.s32 $0x100, s11;
	s26 =	sadd.s32 s9, s5  }
0x29: {  	[tilespmem:s7], [sflag:$0x1] =	stream.linear.gather [hbm4b:s26+s4], $0x80, $0x38;
	[tilespmem:$0x5800] =	vst v63  }
0x2a: {  	s26 =	simm.s32 $0x0;
	s10 =	simm.s32 $0x880  }
0x2b: {  	s11 =	simm.s32 $0x80;
	s7 =	sadd.s32 $0x0, s8;
	s28 =	simm.s32 $0x980  }
.LBB2_4:
0x2c: {  	[tilespmem:s10], [sflag:$0x2] =	stream.linear.gather [hbm4b:s7+s26], $0x80, $0x38;
	[tilespmem:$0x5800] =	vst v63  }
0x2d: {  	s7 =	smov.u32 s11;
	s10 =	smov.u32 s28;
	p0 =	sne.s32 s11, $0x1F80  }
.Ltmp3:
0x2e: {  	s11 =	sadd.s32 $0x80, s11;
	(pc) =	sbr.rel @p0 .LBB2_4-.Ltmp3, $2  }
0x2f: {  	_ =	sdelay $0x2  }
0x30: {  	s28 =	sadd.s32 $0x100, s28;
	s7 =	sadd.s32 s7, s8  }
0x31: {  	[tilespmem:s10], [sflag:$0x2] =	stream.linear.gather [hbm4b:s7+s26], $0x80, $0x38;
	[tilespmem:$0x5800] =	vst v63  }
.LBB2_6:
0x32: {  	p1 =	seq.s32 s26, $0x0  }
0x33: {  	s7 =	simm.s32 @!p1 $0x3  }
0x34: {  	_ =	swait.ge @!p1 [sflag:s7], $0x800  }
0x35: {  	[sflag:s7] =	ssyncset.done @!p1 $0x0  }
0x36: {  	[sflag:s7] =	ssyncadd.s32 @!p1 $0xFFFFF800  }
0x37: {  	_ =	swait.ge [sflag:s13], $0x2000  }
0x38: {  	s28 =	sshll.u32 s26, $0x1;
	s10 =	simm.s32 $0x0;
	[sflag:s13] =	ssyncset.done $0x0  }
0x39: {  	s11 =	simm.s32 $0x0;
	s29 =	simm.s32 $0x0;
	[sflag:s13] =	ssyncadd.s32 $0xFFFFE000  }
.LBB2_7:
0x3a: {  	v0 =	vld [tilespmem:s10+$0x0];
	_ =	sdelay $0x4  }
0x3b: {  	v1 =	vshll.u32 v0, $0x1  }
0x3c: {  	v0 =	vand.u32 $0x7F, v0;
	v1 =	vand.u32 $0xFFFFFF00, v1  }
0x3d: {  	v0 =	vor.u32 v0, v1;
	_ =	sdelay $0x4  }
0x3e: {  	v0 =	vld.idx.msk [tilespmem:v0+s14+$0x0], $0xffff;
	_ =	sdelay $0x1  }
0x3f: {  	s7 =	sand.u32 $0xF00, s11  }
0x40: {  	s9 =	sand.u32 $0x40, s29;
	s7 =	sadd.s32 $0x4800, s7  }
0x41: {  	s12 =	sand.u32 $0x780, s29;
	s31 =	sor.u32 $0x10, s9;
	s30 =	sor.u32 s9, s7  }
0x42: {  	[tilespmem:s30+$0x0] =	vst v0;
	s30 =	sor.u32 s31, s12  }
0x43: {  	v0 =	vld [tilespmem:s30+$0x0];
	_ =	sdelay $0x4  }
0x44: {  	v61 =	vshll.u32 v0, $0x1  }
0x45: {  	v0 =	vand.u32 $0x7F, v0;
	v1 =	vand.u32 $0xFFFFFF00, v61  }
0x46: {  	v0 =	vor.u32 v0, v1;
	_ =	sdelay $0x4  }
0x47: {  	v0 =	vld.idx.msk [tilespmem:v0+s14+$0x0], $0xffff;
	_ =	sdelay $0x3  }
0x48: {  	s30 =	sor.u32 s31, s7;
	s31 =	sor.u32 $0x20, s9  }
0x49: {  	[tilespmem:s30+$0x0] =	vst v0;
	s30 =	sor.u32 s31, s12  }
0x4a: {  	v0 =	vld [tilespmem:s30+$0x0];
	_ =	sdelay $0x4  }
0x4b: {  	v62 =	vshll.u32 v0, $0x1  }
0x4c: {  	v0 =	vand.u32 $0x7F, v0;
	v1 =	vand.u32 $0xFFFFFF00, v62  }
0x4d: {  	v0 =	vor.u32 v0, v1;
	_ =	sdelay $0x4  }
0x4e: {  	v0 =	vld.idx.msk [tilespmem:v0+s14+$0x0], $0xffff;
	_ =	sdelay $0x3  }
0x4f: {  	s9 =	sor.u32 $0x30, s9;
	s31 =	sor.u32 s31, s7  }
0x50: {  	s12 =	sor.u32 s9, s12;
	[tilespmem:s31+$0x0] =	vst v0  }
0x51: {  	v0 =	vld [tilespmem:s12+$0x0];
	_ =	sdelay $0x4  }
0x52: {  	v63 =	vshll.u32 v0, $0x1  }
0x53: {  	v0 =	vand.u32 $0x7F, v0;
	v1 =	vand.u32 $0xFFFFFF00, v63  }
0x54: {  	v0 =	vor.u32 v0, v1;
	_ =	sdelay $0x4  }
0x55: {  	p0 =	sne.s32 s29, $0x7C0;
	v0 =	vld.idx.msk [tilespmem:v0+s14+$0x0], $0xffff  }
.Ltmp4:
0x56: {  	_ = 	snop;
	(pc) =	sbr.rel @p0 .LBB2_7-.Ltmp4, $3  }
0x57: {  	_ =	sdelay $0x1  }
0x58: {  	s7 =	sor.u32 s9, s7  }
0x59: {  	s11 =	sadd.s32 $0x80, s11;
	s10 =	sadd.s32 $0x40, s10;
	s29 =	sadd.s32 $0x40, s29;
	[tilespmem:s7+$0x0] =	vst v0  }
0x5a: {  	s7 =	sadd.s32 s6, s28;
	s9 =	sshll.u32 s26, $0x5  }
0x5b: {  	s29 =	sand.u32 $0x60, s9;
	s7 =	sshll.u32 s7, $0x8  }
0x5c: {  	s30 =	sand.u32 $0xFFFF800, s7;
	s11 =	sadd.s32 s3, s29  }
0x5d: {  	s12 =	simm.s32 $0x4800;
	s7 =	sadd.s32 s30, s11  }
0x5e: {  	[hbm4b:s7+s4] =	stream.linear.scatter [tilespmem:s12], [sflag:$0x3], $0x80, $0x38;
	[tilespmem:$0x5800] =	vst v63  }
0x5f: {  	s10 =	simm.s32 $0x4900;
	s31 =	sadd.s32 $0x80, s7  }
0x60: {  	[hbm4b:s31+s4] =	stream.linear.scatter [tilespmem:s10], [sflag:$0x3], $0x80, $0x38;
	[tilespmem:$0x5800] =	vst v63  }
0x61: {  	s11 =	simm.s32 $0x4A00;
	s10 =	sadd.s32 $0x100, s7  }
0x62: {  	[hbm4b:s10+s4] =	stream.linear.scatter [tilespmem:s11], [sflag:$0x3], $0x80, $0x38;
	[tilespmem:$0x5800] =	vst v63  }
0x63: {  	s12 =	sadd.s32 $0x180, s7;
	s31 =	simm.s32 $0x4B00  }
0x64: {  	[hbm4b:s12+s4] =	stream.linear.scatter [tilespmem:s31], [sflag:$0x3], $0x80, $0x38;
	[tilespmem:$0x5800] =	vst v63  }
0x65: {  	s10 =	sadd.s32 $0x200, s7;
	s11 =	simm.s32 $0x4C00  }
0x66: {  	[hbm4b:s10+s4] =	stream.linear.scatter [tilespmem:s11], [sflag:$0x3], $0x80, $0x38;
	[tilespmem:$0x5800] =	vst v63  }
0x67: {  	s12 =	sadd.s32 $0x280, s7;
	s31 =	simm.s32 $0x4D00  }
0x68: {  	[hbm4b:s12+s4] =	stream.linear.scatter [tilespmem:s31], [sflag:$0x3], $0x80, $0x38;
	[tilespmem:$0x5800] =	vst v63  }
0x69: {  	s10 =	sadd.s32 $0x300, s7;
	s11 =	simm.s32 $0x4E00  }
0x6a: {  	[hbm4b:s10+s4] =	stream.linear.scatter [tilespmem:s11], [sflag:$0x3], $0x80, $0x38;
	[tilespmem:$0x5800] =	vst v63  }
0x6b: {  	s12 =	sadd.s32 $0x380, s7;
	s31 =	simm.s32 $0x4F00  }
0x6c: {  	[hbm4b:s12+s4] =	stream.linear.scatter [tilespmem:s31], [sflag:$0x3], $0x80, $0x38;
	[tilespmem:$0x5800] =	vst v63  }
0x6d: {  	s10 =	sadd.s32 $0x400, s7;
	s11 =	simm.s32 $0x5000  }
0x6e: {  	[hbm4b:s10+s4] =	stream.linear.scatter [tilespmem:s11], [sflag:$0x3], $0x80, $0x38;
	[tilespmem:$0x5800] =	vst v63  }
0x6f: {  	s12 =	sadd.s32 $0x480, s7;
	s31 =	simm.s32 $0x5100  }
0x70: {  	[hbm4b:s12+s4] =	stream.linear.scatter [tilespmem:s31], [sflag:$0x3], $0x80, $0x38;
	[tilespmem:$0x5800] =	vst v63  }
0x71: {  	s10 =	sadd.s32 $0x500, s7;
	s11 =	simm.s32 $0x5200  }
0x72: {  	[hbm4b:s10+s4] =	stream.linear.scatter [tilespmem:s11], [sflag:$0x3], $0x80, $0x38;
	[tilespmem:$0x5800] =	vst v63  }
0x73: {  	s12 =	sadd.s32 $0x580, s7;
	s31 =	simm.s32 $0x5300  }
0x74: {  	[hbm4b:s12+s4] =	stream.linear.scatter [tilespmem:s31], [sflag:$0x3], $0x80, $0x38;
	[tilespmem:$0x5800] =	vst v63  }
0x75: {  	s10 =	sadd.s32 $0x600, s7;
	s11 =	simm.s32 $0x5400  }
0x76: {  	[hbm4b:s10+s4] =	stream.linear.scatter [tilespmem:s11], [sflag:$0x3], $0x80, $0x38;
	[tilespmem:$0x5800] =	vst v63  }
0x77: {  	p0 =	seq.s32 s26, $0xF;
	s12 =	sadd.s32 $0x680, s7;
	s31 =	simm.s32 $0x5500  }
0x78: {  	[hbm4b:s12+s4] =	stream.linear.scatter [tilespmem:s31], [sflag:$0x3], $0x80, $0x38;
	[tilespmem:$0x5800] =	vst v63  }
.Ltmp5:
0x79: {  	_ = 	snop;
	(pc) =	sbr.rel @p0 .LBB2_12-.Ltmp5, $4  }
0x7a: {  	s11 =	sadd.s32 $0x700, s7;
	s12 =	simm.s32 $0x5600  }
0x7b: {  	[hbm4b:s11+s4] =	stream.linear.scatter [tilespmem:s12], [sflag:$0x3], $0x80, $0x38;
	[tilespmem:$0x5800] =	vst v63  }
0x7c: {  	s7 =	sadd.s32 $0x780, s7;
	s31 =	simm.s32 $0x5700  }
0x7d: {  	[hbm4b:s7+s4] =	stream.linear.scatter [tilespmem:s31], [sflag:$0x3], $0x80, $0x38;
	[tilespmem:$0x5800] =	vst v63  }
0x7e: {  	s7 =	sadd.s32 $0x2, s28  }
0x7f: {  	s9 =	sadd.s32 s6, s7;
	s7 =	sshll.u32 s7, $0x4  }
0x80: {  	s9 =	sshll.u32 s9, $0xA;
	s7 =	sand.u32 $0x60, s7  }
0x81: {  	s9 =	sand.u32 $0xFFFE000, s9;
	s7 =	sadd.s32 s1, s7  }
0x82: {  	s11 =	simm.s32 $0x800;
	s10 =	sadd.s32 s9, s7  }
0x83: {  	s31 =	simm.s32 $0x80;
	s7 =	simm.s32 $0x900;
	s9 =	sadd.s32 $0x0, s10  }
.LBB2_10:
0x84: {  	[tilespmem:s11], [sflag:$0x1] =	stream.linear.gather [hbm4b:s9+s4], $0x80, $0x38;
	[tilespmem:$0x5800] =	vst v63  }
0x85: {  	s9 =	smov.u32 s31;
	s11 =	smov.u32 s7;
	p2 =	sne.s32 s31, $0x1F80  }
.Ltmp6:
0x86: {  	s31 =	sadd.s32 $0x80, s31;
	(pc) =	sbr.rel @p2 .LBB2_10-.Ltmp6, $2  }
0x87: {  	_ =	sdelay $0x2  }
0x88: {  	s7 =	sadd.s32 $0x100, s7;
	s9 =	sadd.s32 s9, s10  }
.Ltmp7:
0x89: {  	(pc) =	sbr.rel @p1 .LBB2_13-.Ltmp7, $2  }
0x8a: {  	_ =	sdelay $0x2  }
0x8b: {  	[tilespmem:s11], [sflag:$0x1] =	stream.linear.gather [hbm4b:s9+s4], $0x80, $0x38;
	[tilespmem:$0x5800] =	vst v63  }
.LBB2_12:
0x8c: {  	_ =	swait.ge [sflag:s0], $0x800  }
0x8d: {  	[sflag:s0] =	ssyncset.done $0x0  }
0x8e: {  	[sflag:s0] =	ssyncadd.s32 $0xFFFFF800  }
.LBB2_13:
0x8f: {  	_ =	swait.ge [sflag:s2], $0x2000;
	s26 =	sadd.s32 $0x1, s26  }
0x90: {  	p1 =	por $0x0, $0x0;
	s31 =	simm.s32 $0x0;
	[sflag:s2] =	ssyncset.done $0x0  }
0x91: {  	s10 =	simm.s32 $0x0;
	s11 =	simm.s32 $0x0;
	[sflag:s2] =	ssyncadd.s32 $0xFFFFE000  }
.LBB2_14:
0x92: {  	v0 =	vld [tilespmem:s31+$0x0];
	_ =	sdelay $0x4  }
0x93: {  	v1 =	vshll.u32 v0, $0x1  }
0x94: {  	v0 =	vand.u32 $0x7F, v0;
	v1 =	vand.u32 $0xFFFFFF00, v1  }
0x95: {  	v0 =	vor.u32 v1, v0  }
0x96: {  	v0 =	vor.u32 $0x80, v0;
	_ =	sdelay $0x4  }
0x97: {  	s7 =	simm.s32 $0x1;
	v0 =	vld.idx.msk [tilespmem:v0+s14+$0x0], $0xffff  }
0x98: {  	s7 =	simm.s32 @!p1 $0x0  }
0x99: {  	s7 =	sshll.u32 s7, $0x6  }
0x9a: {  	s7 =	sadd.s32 s7, s11  }
0x9b: {  	s9 =	sor.u32 $0x80, s7  }
0x9c: {  	[tilespmem:s9+$0x4800] =	vst v0;
	s9 =	sand.u32 $0x7C0, s10  }
0x9d: {  	v0 =	vld [tilespmem:s9+$0x10];
	_ =	sdelay $0x4  }
0x9e: {  	v61 =	vshll.u32 v0, $0x1  }
0x9f: {  	v0 =	vand.u32 $0x7F, v0;
	v1 =	vand.u32 $0xFFFFFF00, v61  }
0xa0: {  	v0 =	vor.u32 v1, v0  }
0xa1: {  	v0 =	vor.u32 $0x80, v0;
	_ =	sdelay $0x4  }
0xa2: {  	v0 =	vld.idx.msk [tilespmem:v0+s14+$0x0], $0xffff;
	_ =	sdelay $0x2  }
0xa3: {  	s12 =	sadd.s32 $0x10, s7  }
0xa4: {  	s12 =	sor.u32 $0x80, s12  }
0xa5: {  	[tilespmem:s12+$0x4800] =	vst v0  }
0xa6: {  	v0 =	vld [tilespmem:s9+$0x20];
	_ =	sdelay $0x4  }
0xa7: {  	v62 =	vshll.u32 v0, $0x1  }
0xa8: {  	v0 =	vand.u32 $0x7F, v0;
	v1 =	vand.u32 $0xFFFFFF00, v62  }
0xa9: {  	v0 =	vor.u32 v1, v0  }
0xaa: {  	v0 =	vor.u32 $0x80, v0;
	_ =	sdelay $0x4  }
0xab: {  	v0 =	vld.idx.msk [tilespmem:v0+s14+$0x0], $0xffff;
	_ =	sdelay $0x2  }
0xac: {  	s12 =	sadd.s32 $0x20, s7  }
0xad: {  	s12 =	sor.u32 $0x80, s12  }
0xae: {  	[tilespmem:s12+$0x4800] =	vst v0  }
0xaf: {  	v0 =	vld [tilespmem:s9+$0x30];
	_ =	sdelay $0x4  }
0xb0: {  	v63 =	vshll.u32 v0, $0x1  }
0xb1: {  	v0 =	vand.u32 $0x7F, v0;
	v1 =	vand.u32 $0xFFFFFF00, v63  }
0xb2: {  	v0 =	vor.u32 v1, v0  }
0xb3: {  	v0 =	vor.u32 $0x80, v0;
	_ =	sdelay $0x4  }
0xb4: {  	p2 =	sne.s32 s11, $0xF80;
	v0 =	vld.idx.msk [tilespmem:v0+s14+$0x0], $0xffff  }
.Ltmp8:
0xb5: {  	_ = 	snop;
	(pc) =	sbr.rel @p2 .LBB2_14-.Ltmp8, $4  }
0xb6: {  	_ = 	snop  }
0xb7: {  	s7 =	sadd.s32 $0x30, s7  }
0xb8: {  	s31 =	sadd.s32 $0x40, s31;
	s7 =	sor.u32 $0x80, s7  }
0xb9: {  	p1 =	por !p1, !p1;
	s11 =	sadd.s32 $0x80, s11;
	s10 =	sadd.s32 $0x40, s10;
	[tilespmem:s7+$0x4800] =	vst v0  }
0xba: {  	s7 =	sadd.s32 s29, s3  }
0xbb: {  	s7 =	sadd.s32 s30, s7  }
0xbc: {  	s10 =	simm.s32 $0x4880;
	s9 =	sadd.s32 $0x10, s7  }
0xbd: {  	[hbm4b:s9+s4] =	stream.linear.scatter [tilespmem:s10], [sflag:$0x4], $0x80, $0x38;
	[tilespmem:$0x5800] =	vst v63  }
0xbe: {  	s11 =	simm.s32 $0x4980;
	s10 =	sadd.s32 $0x90, s7  }
0xbf: {  	[hbm4b:s10+s4] =	stream.linear.scatter [tilespmem:s11], [sflag:$0x4], $0x80, $0x38;
	[tilespmem:$0x5800] =	vst v63  }
0xc0: {  	s29 =	simm.s32 $0x4A80;
	s12 =	sadd.s32 $0x110, s7  }
0xc1: {  	[hbm4b:s12+s4] =	stream.linear.scatter [tilespmem:s29], [sflag:$0x4], $0x80, $0x38;
	[tilespmem:$0x5800] =	vst v63  }
0xc2: {  	s31 =	simm.s32 $0x4B80;
	s30 =	sadd.s32 $0x190, s7  }
0xc3: {  	[hbm4b:s30+s4] =	stream.linear.scatter [tilespmem:s31], [sflag:$0x4], $0x80, $0x38;
	[tilespmem:$0x5800] =	vst v63  }
0xc4: {  	s10 =	sadd.s32 $0x210, s7;
	s11 =	simm.s32 $0x4C80  }
0xc5: {  	[hbm4b:s10+s4] =	stream.linear.scatter [tilespmem:s11], [sflag:$0x4], $0x80, $0x38;
	[tilespmem:$0x5800] =	vst v63  }
0xc6: {  	s12 =	sadd.s32 $0x290, s7  }
0xc7: {  	[hbm4b:s12+s4] =	stream.linear.scatter [tilespmem:s15], [sflag:$0x4], $0x80, $0x38;
	[tilespmem:$0x5800] =	vst v63  }
0xc8: {  	s29 =	sadd.s32 $0x310, s7  }
0xc9: {  	[hbm4b:s29+s4] =	stream.linear.scatter [tilespmem:s16], [sflag:$0x4], $0x80, $0x38;
	[tilespmem:$0x5800] =	vst v63  }
0xca: {  	s30 =	sadd.s32 $0x390, s7  }
0xcb: {  	[hbm4b:s30+s4] =	stream.linear.scatter [tilespmem:s17], [sflag:$0x4], $0x80, $0x38;
	[tilespmem:$0x5800] =	vst v63  }
0xcc: {  	s31 =	sadd.s32 $0x410, s7  }
0xcd: {  	[hbm4b:s31+s4] =	stream.linear.scatter [tilespmem:s18], [sflag:$0x4], $0x80, $0x38;
	[tilespmem:$0x5800] =	vst v63  }
0xce: {  	s10 =	sadd.s32 $0x490, s7  }
0xcf: {  	[hbm4b:s10+s4] =	stream.linear.scatter [tilespmem:s19], [sflag:$0x4], $0x80, $0x38;
	[tilespmem:$0x5800] =	vst v63  }
0xd0: {  	s11 =	sadd.s32 $0x510, s7  }
0xd1: {  	[hbm4b:s11+s4] =	stream.linear.scatter [tilespmem:s20], [sflag:$0x4], $0x80, $0x38;
	[tilespmem:$0x5800] =	vst v63  }
0xd2: {  	s12 =	sadd.s32 $0x590, s7  }
0xd3: {  	[hbm4b:s12+s4] =	stream.linear.scatter [tilespmem:s21], [sflag:$0x4], $0x80, $0x38;
	[tilespmem:$0x5800] =	vst v63  }
0xd4: {  	s29 =	sadd.s32 $0x610, s7  }
0xd5: {  	[hbm4b:s29+s4] =	stream.linear.scatter [tilespmem:s22], [sflag:$0x4], $0x80, $0x38;
	[tilespmem:$0x5800] =	vst v63  }
0xd6: {  	s30 =	sadd.s32 $0x690, s7  }
0xd7: {  	[hbm4b:s30+s4] =	stream.linear.scatter [tilespmem:s23], [sflag:$0x4], $0x80, $0x38;
	[tilespmem:$0x5800] =	vst v63  }
.Ltmp9:
0xd8: {  	_ = 	snop;
	(pc) =	sbr.rel @p0 .LBB2_19-.Ltmp9, $4  }
0xd9: {  	s31 =	sadd.s32 $0x710, s7  }
0xda: {  	[hbm4b:s31+s4] =	stream.linear.scatter [tilespmem:s24], [sflag:$0x4], $0x80, $0x38;
	[tilespmem:$0x5800] =	vst v63  }
0xdb: {  	s7 =	sadd.s32 $0x790, s7  }
0xdc: {  	[hbm4b:s7+s4] =	stream.linear.scatter [tilespmem:s25], [sflag:$0x4], $0x80, $0x38;
	[tilespmem:$0x5800] =	vst v63  }
0xdd: {  	s7 =	sadd.s32 $0x3, s28  }
0xde: {  	s9 =	sadd.s32 s6, s7;
	s7 =	sshll.u32 s7, $0x4  }
0xdf: {  	s9 =	sshll.u32 s9, $0xA;
	s7 =	sand.u32 $0x70, s7  }
0xe0: {  	s9 =	sand.u32 $0xFFFE000, s9;
	s7 =	sadd.s32 s1, s7  }
0xe1: {  	s11 =	simm.s32 $0x880;
	s10 =	sadd.s32 s9, s7  }
0xe2: {  	s28 =	simm.s32 $0x80;
	s7 =	simm.s32 $0x980;
	s9 =	sadd.s32 $0x0, s10  }
.LBB2_17:
0xe3: {  	[tilespmem:s11], [sflag:$0x2] =	stream.linear.gather [hbm4b:s9+s4], $0x80, $0x38;
	[tilespmem:$0x5800] =	vst v63  }
0xe4: {  	s9 =	smov.u32 s28;
	s11 =	smov.u32 s7;
	p0 =	sne.s32 s28, $0x1F80  }
.Ltmp10:
0xe5: {  	s28 =	sadd.s32 $0x80, s28;
	(pc) =	sbr.rel @p0 .LBB2_17-.Ltmp10, $2  }
0xe6: {  	_ =	sdelay $0x2  }
0xe7: {  	s7 =	sadd.s32 $0x100, s7;
	s9 =	sadd.s32 s9, s10  }
0xe8: {  	p0 =	sne.s32 s26, $0x10  }
.Ltmp11:
0xe9: {  	_ = 	snop;
	(pc) =	sbr.rel @p0 .LBB2_6-.Ltmp11, $4  }
.Ltmp12:
0xea: {  	_ = 	snop;
	(pc) =	sbr.rel @!p0 .LBB2_19-.Ltmp12, $4  }
0xeb: {  	_ = 	snop  }
0xec: {  	_ = 	snop  }
0xed: {  	[tilespmem:s11], [sflag:$0x2] =	stream.linear.gather [hbm4b:s9+s4], $0x80, $0x38;
	[tilespmem:$0x5800] =	vst v63  }
0xee: {  	_ = 	snop  }
.LBB2_20:
0xef: {  	_ =	sfence.sel $0x180000  }
0xf0: {  	[bflag:$0x0] =	sbarrier.arrive $0xFFFF  }
0xf1: {  	_ =	strace $0x90000047  }
0xf2: {  	s0 =	stileid.u32;
	[bflag:$0x2] =	sbarrier.arrive $0xFFFF  }
0xf3: {  	p0 =	sne.s32 s0, $0x0;
	s0 =	rddreg [dreg:$0x3]  }
0xf4: {  	s0 =	sadd.s32 @!p0 $0x100000, s0  }
0xf5: {  	[sflag:s0] =	ssyncadd.tile.s32 @!p0 $0x1;
	_ =	shalt  }
.Lfunc_end2:
_tile_overlayer_lowered:
.L_overlay_start_2:
0xf6: {  	(tag) =	ssettag $0x2  }
0xf7: {  	s0 =	rddreg [dreg:$0x0];
	s2 =	stileid.u32  }
0xf8: {  	s1 =	rddreg [dreg:$0x1];
	p0 =	sne.s32 s2, $0x0  }
0xf9: {  	s3 =	rddreg [dreg:$0x2];
	[bflag:$0x3] =	sbarrier.arrive $0xFFFF;
	s2 =	simm.s32 @!p0 $0x1C05  }
0xfa: {  	[timem:s3], [sflag:s2] =	dma.local @!p0 [hbm:s0], s1  }
0xfb: {  	s0 =	simm.s32 @!p0 $0x5  }
0xfc: {  	_ =	swait.ge @!p0 [sflag:s0], s1  }
0xfd: {  	s1 =	ssub.s32 @!p0 $0x0, s1;
	[sflag:s0] =	ssyncset.done @!p0 $0x0  }
0xfe: {  	[sflag:s0] =	ssyncadd.s32 @!p0 s1  }
0xff: {  	[bflag:$0x3] =	sbarrier.arrive $0xFFFF  }
0x100: {  	_ =	shalt  }

</sc_bundles>
